<compile_context>
chip_gen: v7x
topology: tpu7x:2x2x1
jax: 0.10.2.dev20260603
libtpu: 0.0.44.dev20260713+nightly
codegen_flags: <defaults>
</compile_context>

<pallas_src>
import functools

import jax
import jax.numpy as jnp
from jax import lax
from jax.experimental import pallas as pl
from jax.experimental.pallas import tpu as pltpu
from jax.experimental.pallas import tpu_sc as plsc

N = 10000
E = 320000
D = 128
H = 256
ACT = 20

NC = 2
NS = 16
NW = NC * NS

EW = E // NW
CH = 128
NCH = 80
SEC = 40
NBUF = 2
EPW = CH * NCH
EPAD = NW * EPW
NPAD = 10240
RPS = NPAD // NS

def _zero16():
    return jnp.zeros((16,), jnp.float32)


@functools.lru_cache(maxsize=1)
def _sc_kernels():
    mesh = plsc.VectorSubcoreMesh(core_axis_name="c", subcore_axis_name="s",
                                  num_cores=NC, num_subcores=NS)

    @functools.partial(
        pl.kernel,
        out_type=jax.ShapeDtypeStruct((2, NPAD), jnp.float32),
        mesh=mesh,
        scratch_types=[
            pltpu.VMEM((NCH, CH), jnp.int32),
            pltpu.VMEM((CH,), jnp.float32),
            pltpu.VMEM((RPS,), jnp.float32),
            pltpu.VMEM_SHARED((NPAD,), jnp.float32),
        ],
    )
    def deg_kernel(edge_hbm, out_hbm, idx_v, ones_v, zbuf_v, acc_sh):
        c = lax.axis_index("c")
        s = lax.axis_index("s")
        wid = s * NC + c

        for j in range(CH // 16):
            ones_v[pl.ds(j * 16, 16)] = jnp.full((16,), 1.0, jnp.float32)
        for j in range(RPS // 16):
            zbuf_v[pl.ds(j * 16, 16)] = _zero16()
        pltpu.sync_copy(zbuf_v, acc_sh.at[pl.ds(s * RPS, RPS)])
        plsc.subcore_barrier()

        pltpu.sync_copy(edge_hbm.at[1, pl.ds(wid * NCH, NCH)], idx_v)

        def body(ch):
            pltpu.sync_copy(ones_v, acc_sh.at[idx_v.at[ch]], add=True)

        pl.loop(0, NCH)(body)
        plsc.subcore_barrier()
        pltpu.sync_copy(acc_sh.at[pl.ds(s * RPS, RPS)],
                        out_hbm.at[c, pl.ds(s * RPS, RPS)])

    @functools.partial(
        pl.kernel,
        out_type=jax.ShapeDtypeStruct((2, NPAD, D), jnp.float32),
        mesh=mesh,
        scratch_types=[
            pltpu.VMEM((SEC, CH), jnp.int32),
            pltpu.VMEM((SEC, CH), jnp.int32),
            [pltpu.VMEM((CH, D), jnp.float32)] * NBUF,
            [pltpu.SemaphoreType.DMA] * NBUF,
            [pltpu.SemaphoreType.DMA] * NBUF,
            pltpu.VMEM_SHARED((NPAD, D), jnp.float32),
        ],
    )
    def scatter_kernel(edge_hbm, g_hbm, out_hbm,
                       sidx_v, didx_v, bufs, gsems, ssems, acc_sh):
        c = lax.axis_index("c")
        s = lax.axis_index("s")
        wid = s * NC + c

        def zrow(r):
            for j in range(D // 16):
                bufs[0][r, pl.ds(j * 16, 16)] = _zero16()

        pl.loop(0, CH)(zrow)
        for t in range(RPS // CH):
            pltpu.sync_copy(bufs[0], acc_sh.at[pl.ds(s * RPS + t * CH, CH)])
        plsc.subcore_barrier()

        for sec in range(NCH // SEC):
            base = wid * NCH + sec * SEC
            pltpu.sync_copy(edge_hbm.at[0, pl.ds(base, SEC)], sidx_v)
            pltpu.sync_copy(edge_hbm.at[1, pl.ds(base, SEC)], didx_v)
            pltpu.async_copy(g_hbm.at[sidx_v.at[0]], bufs[0], gsems[0])

            def body(l):
                for b in range(NBUF):
                    loc = l + b
                    nb = 1 - b

                    @pl.when(loc >= 1)
                    def _():
                        pltpu.make_async_copy(
                            bufs[nb], acc_sh.at[didx_v.at[loc - 1]],
                            ssems[nb]).wait()

                    @pl.when(loc + 1 < SEC)
                    def _():
                        pltpu.async_copy(
                            g_hbm.at[sidx_v.at[loc + 1]], bufs[nb], gsems[nb])

                    pltpu.make_async_copy(
                        g_hbm.at[sidx_v.at[loc]], bufs[b], gsems[b]).wait()
                    pltpu.async_copy(
                        bufs[b], acc_sh.at[didx_v.at[loc]], ssems[b],
                        add=True)

            pl.loop(0, SEC, step=NBUF)(body)
            pltpu.make_async_copy(
                bufs[(SEC - 1) % NBUF], acc_sh.at[didx_v.at[SEC - 1]],
                ssems[(SEC - 1) % NBUF]).wait()
        plsc.subcore_barrier()
        pltpu.sync_copy(acc_sh.at[pl.ds(s * RPS, RPS)],
                        out_hbm.at[c, pl.ds(s * RPS, RPS)])

    return deg_kernel, scatter_kernel


_BR = 2048


def _matmul_body(x_ref, w_ref, h_ref):
    h_ref[...] = jnp.dot(x_ref[...], w_ref[...],
                         preferred_element_type=jnp.float32)


def _matmul_call(xp, W_gcn):
    return pl.pallas_call(
        _matmul_body,
        grid=(NPAD // _BR,),
        in_specs=[
            pl.BlockSpec((_BR, D), lambda i: (i, 0)),
            pl.BlockSpec((D, D), lambda i: (0, 0)),
        ],
        out_specs=pl.BlockSpec((_BR, D), lambda i: (i, 0)),
        out_shape=jax.ShapeDtypeStruct((NPAD, D), jnp.float32),
    )(xp, W_gcn)


def _scale_body(h_ref, degp_ref, g_ref, dinv_ref):
    ones2 = jnp.ones((2, 1), jnp.float32)
    degsum = lax.dot_general(degp_ref[...], ones2, (((0,), (0,)), ((), ())))
    dinv = lax.rsqrt(degsum + 1.0)
    g_ref[...] = h_ref[...] * dinv
    dinv_ref[...] = dinv


def _scale_call(h, degp):
    return pl.pallas_call(
        _scale_body,
        grid=(NPAD // _BR,),
        in_specs=[
            pl.BlockSpec((_BR, D), lambda i: (i, 0)),
            pl.BlockSpec((2, _BR), lambda i: (0, i)),
        ],
        out_specs=[
            pl.BlockSpec((_BR, D), lambda i: (i, 0)),
            pl.BlockSpec((_BR, 1), lambda i: (i, 0)),
        ],
        out_shape=[
            jax.ShapeDtypeStruct((NPAD, D), jnp.float32),
            jax.ShapeDtypeStruct((NPAD, 1), jnp.float32),
        ],
    )(h, degp)


_BR2 = 2000
_GB = _BR2 // ACT
_NB2 = N // _BR2


def _final_body(sp_ref, g_ref, x_ref, dinv_ref, bg_ref,
                w1_ref, b1_ref, w2_ref, b2_ref, w3_ref, b3_ref, out_ref):
    i = pl.program_id(0)
    ssum = sp_ref[0] + sp_ref[1] + g_ref[...]
    hres = jnp.maximum(ssum * dinv_ref[...] + bg_ref[...], 0.0) + x_ref[...]
    a1 = jnp.maximum(
        jnp.dot(hres, w1_ref[...], preferred_element_type=jnp.float32)
        + b1_ref[...], 0.0)
    a2 = jnp.maximum(
        jnp.dot(a1, w2_ref[...], preferred_element_type=jnp.float32)
        + b2_ref[...], 0.0)
    gs = jnp.sum(a2.reshape(_GB, ACT, H), axis=1)
    res = jnp.dot(gs, w3_ref[...], preferred_element_type=jnp.float32) \
        + b3_ref[...]
    out_ref[pl.ds(i * _GB, _GB), :] = res


def _final_call(sp, g, x, dinvc, bg, W1, b1, W2, b2, W3, b3):
    return pl.pallas_call(
        _final_body,
        grid=(_NB2,),
        in_specs=[
            pl.BlockSpec((2, _BR2, D), lambda i: (0, i, 0)),
            pl.BlockSpec((_BR2, D), lambda i: (i, 0)),
            pl.BlockSpec((_BR2, D), lambda i: (i, 0)),
            pl.BlockSpec((_BR2, 1), lambda i: (i, 0)),
            pl.BlockSpec((1, D), lambda i: (0, 0)),
            pl.BlockSpec((D, H), lambda i: (0, 0)),
            pl.BlockSpec((1, H), lambda i: (0, 0)),
            pl.BlockSpec((H, H), lambda i: (0, 0)),
            pl.BlockSpec((1, H), lambda i: (0, 0)),
            pl.BlockSpec((H, 1), lambda i: (0, 0)),
            pl.BlockSpec((1, 1), lambda i: (0, 0)),
        ],
        out_specs=pl.BlockSpec((N // ACT, 1), lambda i: (0, 0)),
        out_shape=jax.ShapeDtypeStruct((N // ACT, 1), jnp.float32),
    )(sp, g, x, dinvc, bg, W1, b1, W2, b2, W3, b3)


def kernel(x, edge_index, W_gcn, b_gcn, W1, b1, W2, b2, W3, b3):
    ppt = EPW - EW
    padv = N + (jnp.arange(ppt, dtype=jnp.int32) % (NPAD - N))
    padb = jnp.broadcast_to(padv, (2, NW, ppt))
    e2d = jnp.concatenate([edge_index.reshape(2, NW, EW), padb],
                          axis=2).reshape(2, NW * NCH, CH)
    xp = jnp.pad(x, ((0, NPAD - N), (0, 0)))

    deg_kernel, scatter_kernel = _sc_kernels()
    degp = deg_kernel(e2d)
    h = _matmul_call(xp, W_gcn)
    g, dinvc = _scale_call(h, degp)
    sp = scatter_kernel(e2d, g)
    out = _final_call(sp, g, x, dinvc,
                      b_gcn.reshape(1, D), W1, b1.reshape(1, H),
                      W2, b2.reshape(1, H), W3, b3.reshape(1, 1))
    return out

# --- scband reference (transcript-rebuilt; emitter-appended) ---
"""Pipeline reference for scband-gnncritic-2826088481167 (READ-ONLY COPY).

The authoritative reference and input builder live on the scoring server;
editing this copy changes nothing except your own understanding.
"""

import jax, jax.numpy as jnp
import numpy as np

N = 10000
E = 320000
D = 128
H = 256
ACT = 20


def setup_inputs(seed: int = 0) -> dict:
    key = jax.random.key(seed)
    ks = jax.random.split(key, 10)
    x = jax.random.normal(ks[0], (N, D), dtype=jnp.float32)
    edge_index = jax.random.randint(ks[1], (2, E), 0, N, dtype=jnp.int32)
    W_gcn = jax.random.normal(ks[2], (D, D), dtype=jnp.float32) * 0.05
    b_gcn = jnp.zeros((D,), dtype=jnp.float32)
    W1 = jax.random.normal(ks[3], (D, H), dtype=jnp.float32) * 0.05
    b1 = jnp.zeros((H,), dtype=jnp.float32)
    W2 = jax.random.normal(ks[4], (H, H), dtype=jnp.float32) * 0.05
    b2 = jnp.zeros((H,), dtype=jnp.float32)
    W3 = jax.random.normal(ks[5], (H, 1), dtype=jnp.float32) * 0.05
    b3 = jnp.zeros((1,), dtype=jnp.float32)
    return {"x": x, "edge_index": edge_index, "W_gcn": W_gcn, "b_gcn": b_gcn,
            "W1": W1, "b1": b1, "W2": W2, "b2": b2, "W3": W3, "b3": b3}


def gcn_conv(x, edge_index, W, b):
    # PyG-style GCNConv: add self loops, symmetric normalization, linear + bias
    src = edge_index[0]
    dst = edge_index[1]
    loop = jnp.arange(N, dtype=src.dtype)
    src = jnp.concatenate([src, loop])
    dst = jnp.concatenate([dst, loop])
    deg = jnp.zeros((N,), dtype=jnp.float32).at[dst].add(1.0)
    dinv = jnp.where(deg > 0, 1.0 / jnp.sqrt(deg), 0.0)
    norm = dinv[src] * dinv[dst]
    h = x @ W
    msgs = h[src] * norm[:, None]
    out = jnp.zeros((N, h.shape[1]), dtype=h.dtype).at[dst].add(msgs)
    return out + b


def reference(x, edge_index, W_gcn, b_gcn, W1, b1, W2, b2, W3, b3):
    out = jax.nn.relu(gcn_conv(x, edge_index, W_gcn, b_gcn))
    h = out + x
    h = h.reshape(-1, ACT, D)
    h = jax.nn.relu(h @ W1 + b1)
    h = jax.nn.relu(h @ W2 + b2)
    h = jnp.sum(h, axis=1)
    h = h @ W3 + b3
    # torch squeeze(0): only squeezes if leading dim == 1 (no-op here, B=500)
    if h.shape[0] == 1:
        h = jnp.squeeze(h, axis=0)
    return h

if __name__ == "__main__":
    import jax
    _d = setup_inputs()
    print(jax.jit(kernel)(*tuple(_d.values())))

</pallas_src>

<mosaic_0001>
#map = affine_map<(d0, d1) -> (0, 0, 0)>
#map1 = affine_map<(d0, d1) -> (0, 0)>
module attributes {stable_mosaic.version = 14 : i64} {
  func.func @scatter_kernel(%arg0: i32, %arg1: i32, %arg2: memref<2x2560x128xi32, #tpu.memory_space<hbm>>, %arg3: memref<10240x128xf32, #tpu.memory_space<hbm>>, %arg4: memref<2x10240x128xf32, #tpu.memory_space<hbm>>, %arg5: memref<40x128xi32, #tpu.memory_space<vmem>>, %arg6: memref<40x128xi32, #tpu.memory_space<vmem>>, %arg7: memref<128x128xf32, #tpu.memory_space<vmem>>, %arg8: memref<128x128xf32, #tpu.memory_space<vmem>>, %arg9: memref<!tpu.dma_semaphore, #tpu.memory_space<semaphore_mem>>, %arg10: memref<!tpu.dma_semaphore, #tpu.memory_space<semaphore_mem>>, %arg11: memref<!tpu.dma_semaphore, #tpu.memory_space<semaphore_mem>>, %arg12: memref<!tpu.dma_semaphore, #tpu.memory_space<semaphore_mem>>, %arg13: memref<10240x128xf32, #tpu.memory_space<vmem_shared>>) attributes {dimension_semantics = [#tpu.dimension_semantics<core_parallel>, #tpu.dimension_semantics<subcore_parallel>], iteration_bounds = array<i64: 2, 16>, scalar_prefetch = 0 : i64, scratch_operands = 9 : i64, tpu.core_type = #tpu.core_type<sc_vector_subcore>, window_params = [{transform_indices = #map}, {transform_indices = #map1}, {transform_indices = #map}]} {
    %mul3A = arith.constant 2 : i32
    %mul3A_0 = arith.muli %arg1, %mul3A : i32
    %add3A = arith.addi %mul3A_0, %arg0 : i32
    %scan3A = arith.constant 0 : i32
    %scan3A_1 = arith.constant 128 : i32
    %scan3A_2 = arith.addi %scan3A, %scan3A_1 : i32
    %scan3A_3 = arith.constant 1 : i32
    scf.for %scan3A_77 = %scan3A to %scan3A_2 step %scan3A_3  : i32 {
      %mul3A_78 = arith.constant 1 : i32
      %mul3A_79 = arith.muli %scan3A_77, %mul3A_78 : i32
      %add3A_80 = arith.constant 0 : i32
      %add3A_81 = arith.addi %add3A_80, %mul3A_79 : i32
      %broadcast_in_dim3A = arith.constant 0.000000e+00 : f32
      %broadcast_in_dim3A_82 = vector.broadcast %broadcast_in_dim3A : f32 to vector<16xf32>
      %swap3A = arith.index_cast %add3A_81 : i32 to index
      %swap3A_83 = arith.constant 0 : index
      %swap3A_84 = tpu.vector_load %arg7[%swap3A, %swap3A_83] {strides = array<i32>} : memref<128x128xf32, #tpu.memory_space<vmem>>, vector<1x16xf32>,
      %swap3A_85 = vector.shape_cast %swap3A_84 : vector<1x16xf32> to vector<16xf32>
      %swap3A_86 = vector.shape_cast %broadcast_in_dim3A_82 : vector<16xf32> to vector<1x16xf32>
      tpu.vector_store %arg7[%swap3A, %swap3A_83], %swap3A_86 {strides = array<i32>} : memref<128x128xf32, #tpu.memory_space<vmem>>, vector<1x16xf32>,
      %broadcast_in_dim3A_87 = arith.constant 0.000000e+00 : f32
      %broadcast_in_dim3A_88 = vector.broadcast %broadcast_in_dim3A_87 : f32 to vector<16xf32>
      %swap3A_89 = arith.index_cast %add3A_81 : i32 to index
      %swap3A_90 = arith.constant 16 : index
      %swap3A_91 = tpu.vector_load %arg7[%swap3A_89, %swap3A_90] {strides = array<i32>} : memref<128x128xf32, #tpu.memory_space<vmem>>, vector<1x16xf32>,
      %swap3A_92 = vector.shape_cast %swap3A_91 : vector<1x16xf32> to vector<16xf32>
      %swap3A_93 = vector.shape_cast %broadcast_in_dim3A_88 : vector<16xf32> to vector<1x16xf32>
      tpu.vector_store %arg7[%swap3A_89, %swap3A_90], %swap3A_93 {strides = array<i32>} : memref<128x128xf32, #tpu.memory_space<vmem>>, vector<1x16xf32>,
      %broadcast_in_dim3A_94 = arith.constant 0.000000e+00 : f32
      %broadcast_in_dim3A_95 = vector.broadcast %broadcast_in_dim3A_94 : f32 to vector<16xf32>
      %swap3A_96 = arith.index_cast %add3A_81 : i32 to index
      %swap3A_97 = arith.constant 32 : index
      %swap3A_98 = tpu.vector_load %arg7[%swap3A_96, %swap3A_97] {strides = array<i32>} : memref<128x128xf32, #tpu.memory_space<vmem>>, vector<1x16xf32>,
      %swap3A_99 = vector.shape_cast %swap3A_98 : vector<1x16xf32> to vector<16xf32>
      %swap3A_100 = vector.shape_cast %broadcast_in_dim3A_95 : vector<16xf32> to vector<1x16xf32>
      tpu.vector_store %arg7[%swap3A_96, %swap3A_97], %swap3A_100 {strides = array<i32>} : memref<128x128xf32, #tpu.memory_space<vmem>>, vector<1x16xf32>,
      %broadcast_in_dim3A_101 = arith.constant 0.000000e+00 : f32
      %broadcast_in_dim3A_102 = vector.broadcast %broadcast_in_dim3A_101 : f32 to vector<16xf32>
      %swap3A_103 = arith.index_cast %add3A_81 : i32 to index
      %swap3A_104 = arith.constant 48 : index
      %swap3A_105 = tpu.vector_load %arg7[%swap3A_103, %swap3A_104] {strides = array<i32>} : memref<128x128xf32, #tpu.memory_space<vmem>>, vector<1x16xf32>,
      %swap3A_106 = vector.shape_cast %swap3A_105 : vector<1x16xf32> to vector<16xf32>
      %swap3A_107 = vector.shape_cast %broadcast_in_dim3A_102 : vector<16xf32> to vector<1x16xf32>
      tpu.vector_store %arg7[%swap3A_103, %swap3A_104], %swap3A_107 {strides = array<i32>} : memref<128x128xf32, #tpu.memory_space<vmem>>, vector<1x16xf32>,
      %broadcast_in_dim3A_108 = arith.constant 0.000000e+00 : f32
      %broadcast_in_dim3A_109 = vector.broadcast %broadcast_in_dim3A_108 : f32 to vector<16xf32>
      %swap3A_110 = arith.index_cast %add3A_81 : i32 to index
      %swap3A_111 = arith.constant 64 : index
      %swap3A_112 = tpu.vector_load %arg7[%swap3A_110, %swap3A_111] {strides = array<i32>} : memref<128x128xf32, #tpu.memory_space<vmem>>, vector<1x16xf32>,
      %swap3A_113 = vector.shape_cast %swap3A_112 : vector<1x16xf32> to vector<16xf32>
      %swap3A_114 = vector.shape_cast %broadcast_in_dim3A_109 : vector<16xf32> to vector<1x16xf32>
      tpu.vector_store %arg7[%swap3A_110, %swap3A_111], %swap3A_114 {strides = array<i32>} : memref<128x128xf32, #tpu.memory_space<vmem>>, vector<1x16xf32>,
      %broadcast_in_dim3A_115 = arith.constant 0.000000e+00 : f32
      %broadcast_in_dim3A_116 = vector.broadcast %broadcast_in_dim3A_115 : f32 to vector<16xf32>
      %swap3A_117 = arith.index_cast %add3A_81 : i32 to index
      %swap3A_118 = arith.constant 80 : index
      %swap3A_119 = tpu.vector_load %arg7[%swap3A_117, %swap3A_118] {strides = array<i32>} : memref<128x128xf32, #tpu.memory_space<vmem>>, vector<1x16xf32>,
      %swap3A_120 = vector.shape_cast %swap3A_119 : vector<1x16xf32> to vector<16xf32>
      %swap3A_121 = vector.shape_cast %broadcast_in_dim3A_116 : vector<16xf32> to vector<1x16xf32>
      tpu.vector_store %arg7[%swap3A_117, %swap3A_118], %swap3A_121 {strides = array<i32>} : memref<128x128xf32, #tpu.memory_space<vmem>>, vector<1x16xf32>,
      %broadcast_in_dim3A_122 = arith.constant 0.000000e+00 : f32
      %broadcast_in_dim3A_123 = vector.broadcast %broadcast_in_dim3A_122 : f32 to vector<16xf32>
      %swap3A_124 = arith.index_cast %add3A_81 : i32 to index
      %swap3A_125 = arith.constant 96 : index
      %swap3A_126 = tpu.vector_load %arg7[%swap3A_124, %swap3A_125] {strides = array<i32>} : memref<128x128xf32, #tpu.memory_space<vmem>>, vector<1x16xf32>,
      %swap3A_127 = vector.shape_cast %swap3A_126 : vector<1x16xf32> to vector<16xf32>
      %swap3A_128 = vector.shape_cast %broadcast_in_dim3A_123 : vector<16xf32> to vector<1x16xf32>
      tpu.vector_store %arg7[%swap3A_124, %swap3A_125], %swap3A_128 {strides = array<i32>} : memref<128x128xf32, #tpu.memory_space<vmem>>, vector<1x16xf32>,
      %broadcast_in_dim3A_129 = arith.constant 0.000000e+00 : f32
      %broadcast_in_dim3A_130 = vector.broadcast %broadcast_in_dim3A_129 : f32 to vector<16xf32>
      %swap3A_131 = arith.index_cast %add3A_81 : i32 to index
      %swap3A_132 = arith.constant 112 : index
      %swap3A_133 = tpu.vector_load %arg7[%swap3A_131, %swap3A_132] {strides = array<i32>} : memref<128x128xf32, #tpu.memory_space<vmem>>, vector<1x16xf32>,
      %swap3A_134 = vector.shape_cast %swap3A_133 : vector<1x16xf32> to vector<16xf32>
      %swap3A_135 = vector.shape_cast %broadcast_in_dim3A_130 : vector<16xf32> to vector<1x16xf32>
      tpu.vector_store %arg7[%swap3A_131, %swap3A_132], %swap3A_135 {strides = array<i32>} : memref<128x128xf32, #tpu.memory_space<vmem>>, vector<1x16xf32>,
    }
    %scan3A_4 = arith.constant 128 : i32
    %mul3A_5 = arith.constant 640 : i32
    %mul3A_6 = arith.muli %arg1, %mul3A_5 : i32
    %add3A_7 = arith.constant 0 : i32
    %add3A_8 = arith.addi %mul3A_6, %add3A_7 : i32
    "tpu.region"() ({
      %run_scoped3A_77 = tpu.sem_alloc : memref<!tpu.dma_semaphore, #tpu.memory_space<semaphore_mem>>
      %dma_start3A_78 = arith.constant 0 : i32
      %dma_start3A_79 = tpu.memref_slice %arg13[%add3A_8, %dma_start3A_78] : memref<10240x128xf32, #tpu.memory_space<vmem_shared>> -> memref<128x128xf32, #tpu.memory_space<vmem_shared>>
      %dma_start3A_80 = arith.constant 0 : i32
      %dma_start3A_81 = tpu.memref_slice %arg13[%add3A_8, %dma_start3A_80] : memref<10240x128xf32, #tpu.memory_space<vmem_shared>> -> memref<128x128xf32, #tpu.memory_space<vmem_shared>>
      tpu.enqueue_dma source(%arg7 : memref<128x128xf32, #tpu.memory_space<vmem>>) target(%dma_start3A_81 : memref<128x128xf32, #tpu.memory_space<vmem_shared>>) target_semaphore(%run_scoped3A_77 : memref<!tpu.dma_semaphore, #tpu.memory_space<semaphore_mem>>)
      %dma_wait3A_82 = arith.constant 0 : i32
      %dma_wait3A_83 = tpu.memref_slice %arg13[%add3A_8, %dma_wait3A_82] : memref<10240x128xf32, #tpu.memory_space<vmem_shared>> -> memref<128x128xf32, #tpu.memory_space<vmem_shared>>
      %dma_wait3A_84 = arith.constant 0 : i32
      %dma_wait3A_85 = tpu.memref_slice %arg13[%add3A_8, %dma_wait3A_84] : memref<10240x128xf32, #tpu.memory_space<vmem_shared>> -> memref<128x128xf32, #tpu.memory_space<vmem_shared>>
      tpu.wait_dma2 semaphore(%run_scoped3A_77 : memref<!tpu.dma_semaphore, #tpu.memory_space<semaphore_mem>>) src(%arg7 : memref<128x128xf32, #tpu.memory_space<vmem>>) dst(%dma_wait3A_85 : memref<128x128xf32, #tpu.memory_space<vmem_shared>>)
      tpu.yield
    }) : () -> ()
    %mul3A_9 = arith.constant 640 : i32
    %mul3A_10 = arith.muli %arg1, %mul3A_9 : i32
    %add3A_11 = arith.constant 128 : i32
    %add3A_12 = arith.addi %mul3A_10, %add3A_11 : i32
    "tpu.region"() ({
      %run_scoped3A_77 = tpu.sem_alloc : memref<!tpu.dma_semaphore, #tpu.memory_space<semaphore_mem>>
      %dma_start3A_78 = arith.constant 0 : i32
      %dma_start3A_79 = tpu.memref_slice %arg13[%add3A_12, %dma_start3A_78] : memref<10240x128xf32, #tpu.memory_space<vmem_shared>> -> memref<128x128xf32, #tpu.memory_space<vmem_shared>>
      %dma_start3A_80 = arith.constant 0 : i32
      %dma_start3A_81 = tpu.memref_slice %arg13[%add3A_12, %dma_start3A_80] : memref<10240x128xf32, #tpu.memory_space<vmem_shared>> -> memref<128x128xf32, #tpu.memory_space<vmem_shared>>
      tpu.enqueue_dma source(%arg7 : memref<128x128xf32, #tpu.memory_space<vmem>>) target(%dma_start3A_81 : memref<128x128xf32, #tpu.memory_space<vmem_shared>>) target_semaphore(%run_scoped3A_77 : memref<!tpu.dma_semaphore, #tpu.memory_space<semaphore_mem>>)
      %dma_wait3A_82 = arith.constant 0 : i32
      %dma_wait3A_83 = tpu.memref_slice %arg13[%add3A_12, %dma_wait3A_82] : memref<10240x128xf32, #tpu.memory_space<vmem_shared>> -> memref<128x128xf32, #tpu.memory_space<vmem_shared>>
      %dma_wait3A_84 = arith.constant 0 : i32
      %dma_wait3A_85 = tpu.memref_slice %arg13[%add3A_12, %dma_wait3A_84] : memref<10240x128xf32, #tpu.memory_space<vmem_shared>> -> memref<128x128xf32, #tpu.memory_space<vmem_shared>>
      tpu.wait_dma2 semaphore(%run_scoped3A_77 : memref<!tpu.dma_semaphore, #tpu.memory_space<semaphore_mem>>) src(%arg7 : memref<128x128xf32, #tpu.memory_space<vmem>>) dst(%dma_wait3A_85 : memref<128x128xf32, #tpu.memory_space<vmem_shared>>)
      tpu.yield
    }) : () -> ()
    %mul3A_13 = arith.constant 640 : i32
    %mul3A_14 = arith.muli %arg1, %mul3A_13 : i32
    %add3A_15 = arith.constant 256 : i32
    %add3A_16 = arith.addi %mul3A_14, %add3A_15 : i32
    "tpu.region"() ({
      %run_scoped3A_77 = tpu.sem_alloc : memref<!tpu.dma_semaphore, #tpu.memory_space<semaphore_mem>>
      %dma_start3A_78 = arith.constant 0 : i32
      %dma_start3A_79 = tpu.memref_slice %arg13[%add3A_16, %dma_start3A_78] : memref<10240x128xf32, #tpu.memory_space<vmem_shared>> -> memref<128x128xf32, #tpu.memory_space<vmem_shared>>
      %dma_start3A_80 = arith.constant 0 : i32
      %dma_start3A_81 = tpu.memref_slice %arg13[%add3A_16, %dma_start3A_80] : memref<10240x128xf32, #tpu.memory_space<vmem_shared>> -> memref<128x128xf32, #tpu.memory_space<vmem_shared>>
      tpu.enqueue_dma source(%arg7 : memref<128x128xf32, #tpu.memory_space<vmem>>) target(%dma_start3A_81 : memref<128x128xf32, #tpu.memory_space<vmem_shared>>) target_semaphore(%run_scoped3A_77 : memref<!tpu.dma_semaphore, #tpu.memory_space<semaphore_mem>>)
      %dma_wait3A_82 = arith.constant 0 : i32
      %dma_wait3A_83 = tpu.memref_slice %arg13[%add3A_16, %dma_wait3A_82] : memref<10240x128xf32, #tpu.memory_space<vmem_shared>> -> memref<128x128xf32, #tpu.memory_space<vmem_shared>>
      %dma_wait3A_84 = arith.constant 0 : i32
      %dma_wait3A_85 = tpu.memref_slice %arg13[%add3A_16, %dma_wait3A_84] : memref<10240x128xf32, #tpu.memory_space<vmem_shared>> -> memref<128x128xf32, #tpu.memory_space<vmem_shared>>
      tpu.wait_dma2 semaphore(%run_scoped3A_77 : memref<!tpu.dma_semaphore, #tpu.memory_space<semaphore_mem>>) src(%arg7 : memref<128x128xf32, #tpu.memory_space<vmem>>) dst(%dma_wait3A_85 : memref<128x128xf32, #tpu.memory_space<vmem_shared>>)
      tpu.yield
    }) : () -> ()
    %mul3A_17 = arith.constant 640 : i32
    %mul3A_18 = arith.muli %arg1, %mul3A_17 : i32
    %add3A_19 = arith.constant 384 : i32
    %add3A_20 = arith.addi %mul3A_18, %add3A_19 : i32
    "tpu.region"() ({
      %run_scoped3A_77 = tpu.sem_alloc : memref<!tpu.dma_semaphore, #tpu.memory_space<semaphore_mem>>
      %dma_start3A_78 = arith.constant 0 : i32
      %dma_start3A_79 = tpu.memref_slice %arg13[%add3A_20, %dma_start3A_78] : memref<10240x128xf32, #tpu.memory_space<vmem_shared>> -> memref<128x128xf32, #tpu.memory_space<vmem_shared>>
      %dma_start3A_80 = arith.constant 0 : i32
      %dma_start3A_81 = tpu.memref_slice %arg13[%add3A_20, %dma_start3A_80] : memref<10240x128xf32, #tpu.memory_space<vmem_shared>> -> memref<128x128xf32, #tpu.memory_space<vmem_shared>>
      tpu.enqueue_dma source(%arg7 : memref<128x128xf32, #tpu.memory_space<vmem>>) target(%dma_start3A_81 : memref<128x128xf32, #tpu.memory_space<vmem_shared>>) target_semaphore(%run_scoped3A_77 : memref<!tpu.dma_semaphore, #tpu.memory_space<semaphore_mem>>)
      %dma_wait3A_82 = arith.constant 0 : i32
      %dma_wait3A_83 = tpu.memref_slice %arg13[%add3A_20, %dma_wait3A_82] : memref<10240x128xf32, #tpu.memory_space<vmem_shared>> -> memref<128x128xf32, #tpu.memory_space<vmem_shared>>
      %dma_wait3A_84 = arith.constant 0 : i32
      %dma_wait3A_85 = tpu.memref_slice %arg13[%add3A_20, %dma_wait3A_84] : memref<10240x128xf32, #tpu.memory_space<vmem_shared>> -> memref<128x128xf32, #tpu.memory_space<vmem_shared>>
      tpu.wait_dma2 semaphore(%run_scoped3A_77 : memref<!tpu.dma_semaphore, #tpu.memory_space<semaphore_mem>>) src(%arg7 : memref<128x128xf32, #tpu.memory_space<vmem>>) dst(%dma_wait3A_85 : memref<128x128xf32, #tpu.memory_space<vmem_shared>>)
      tpu.yield
    }) : () -> ()
    %mul3A_21 = arith.constant 640 : i32
    %mul3A_22 = arith.muli %arg1, %mul3A_21 : i32
    %add3A_23 = arith.constant 512 : i32
    %add3A_24 = arith.addi %mul3A_22, %add3A_23 : i32
    "tpu.region"() ({
      %run_scoped3A_77 = tpu.sem_alloc : memref<!tpu.dma_semaphore, #tpu.memory_space<semaphore_mem>>
      %dma_start3A_78 = arith.constant 0 : i32
      %dma_start3A_79 = tpu.memref_slice %arg13[%add3A_24, %dma_start3A_78] : memref<10240x128xf32, #tpu.memory_space<vmem_shared>> -> memref<128x128xf32, #tpu.memory_space<vmem_shared>>
      %dma_start3A_80 = arith.constant 0 : i32
      %dma_start3A_81 = tpu.memref_slice %arg13[%add3A_24, %dma_start3A_80] : memref<10240x128xf32, #tpu.memory_space<vmem_shared>> -> memref<128x128xf32, #tpu.memory_space<vmem_shared>>
      tpu.enqueue_dma source(%arg7 : memref<128x128xf32, #tpu.memory_space<vmem>>) target(%dma_start3A_81 : memref<128x128xf32, #tpu.memory_space<vmem_shared>>) target_semaphore(%run_scoped3A_77 : memref<!tpu.dma_semaphore, #tpu.memory_space<semaphore_mem>>)
      %dma_wait3A_82 = arith.constant 0 : i32
      %dma_wait3A_83 = tpu.memref_slice %arg13[%add3A_24, %dma_wait3A_82] : memref<10240x128xf32, #tpu.memory_space<vmem_shared>> -> memref<128x128xf32, #tpu.memory_space<vmem_shared>>
      %dma_wait3A_84 = arith.constant 0 : i32
      %dma_wait3A_85 = tpu.memref_slice %arg13[%add3A_24, %dma_wait3A_84] : memref<10240x128xf32, #tpu.memory_space<vmem_shared>> -> memref<128x128xf32, #tpu.memory_space<vmem_shared>>
      tpu.wait_dma2 semaphore(%run_scoped3A_77 : memref<!tpu.dma_semaphore, #tpu.memory_space<semaphore_mem>>) src(%arg7 : memref<128x128xf32, #tpu.memory_space<vmem>>) dst(%dma_wait3A_85 : memref<128x128xf32, #tpu.memory_space<vmem_shared>>)
      tpu.yield
    }) : () -> ()
    %barrier3A = arith.constant 0 : index
    tpu.barrier barrier_id(%barrier3A)
    %mul3A_25 = arith.constant 80 : i32
    %mul3A_26 = arith.muli %add3A, %mul3A_25 : i32
    %add3A_27 = arith.constant 0 : i32
    %add3A_28 = arith.addi %mul3A_26, %add3A_27 : i32
    %run_scoped3A = arith.constant 0 : i32
    "tpu.region"() ({
      %run_scoped3A_77 = tpu.sem_alloc : memref<!tpu.dma_semaphore, #tpu.memory_space<semaphore_mem>>
      %dma_start3A_78 = arith.constant 0 : i32
      %dma_start3A_79 = tpu.memref_slice %arg2[%run_scoped3A, %add3A_28, %dma_start3A_78] : memref<2x2560x128xi32, #tpu.memory_space<hbm>> -> memref<1x40x128xi32, #tpu.memory_space<hbm>>
      %dma_start3A_80 = tpu.memref_squeeze %dma_start3A_79 : memref<1x40x128xi32, #tpu.memory_space<hbm>> -> memref<40x128xi32, #tpu.memory_space<hbm>>
      %dma_start3A_81 = arith.constant 0 : i32
      %dma_start3A_82 = tpu.memref_slice %arg2[%run_scoped3A, %add3A_28, %dma_start3A_81] : memref<2x2560x128xi32, #tpu.memory_space<hbm>> -> memref<1x40x128xi32, #tpu.memory_space<hbm>>
      %dma_start3A_83 = tpu.memref_squeeze %dma_start3A_82 : memref<1x40x128xi32, #tpu.memory_space<hbm>> -> memref<40x128xi32, #tpu.memory_space<hbm>>
      tpu.enqueue_dma source(%dma_start3A_83 : memref<40x128xi32, #tpu.memory_space<hbm>>) target(%arg5 : memref<40x128xi32, #tpu.memory_space<vmem>>) target_semaphore(%run_scoped3A_77 : memref<!tpu.dma_semaphore, #tpu.memory_space<semaphore_mem>>)
      %dma_wait3A_84 = arith.constant 0 : i32
      %dma_wait3A_85 = tpu.memref_slice %arg2[%run_scoped3A, %add3A_28, %dma_wait3A_84] : memref<2x2560x128xi32, #tpu.memory_space<hbm>> -> memref<1x40x128xi32, #tpu.memory_space<hbm>>
      %dma_wait3A_86 = tpu.memref_squeeze %dma_wait3A_85 : memref<1x40x128xi32, #tpu.memory_space<hbm>> -> memref<40x128xi32, #tpu.memory_space<hbm>>
      %dma_wait3A_87 = arith.constant 0 : i32
      %dma_wait3A_88 = tpu.memref_slice %arg2[%run_scoped3A, %add3A_28, %dma_wait3A_87] : memref<2x2560x128xi32, #tpu.memory_space<hbm>> -> memref<1x40x128xi32, #tpu.memory_space<hbm>>
      %dma_wait3A_89 = tpu.memref_squeeze %dma_wait3A_88 : memref<1x40x128xi32, #tpu.memory_space<hbm>> -> memref<40x128xi32, #tpu.memory_space<hbm>>
      tpu.wait_dma2 semaphore(%run_scoped3A_77 : memref<!tpu.dma_semaphore, #tpu.memory_space<semaphore_mem>>) src(%dma_wait3A_89 : memref<40x128xi32, #tpu.memory_space<hbm>>) dst(%arg5 : memref<40x128xi32, #tpu.memory_space<vmem>>)
      tpu.yield
    }) : () -> ()
    %run_scoped3A_29 = arith.constant 1 : i32
    "tpu.region"() ({
      %run_scoped3A_77 = tpu.sem_alloc : memref<!tpu.dma_semaphore, #tpu.memory_space<semaphore_mem>>
      %dma_start3A_78 = arith.constant 0 : i32
      %dma_start3A_79 = tpu.memref_slice %arg2[%run_scoped3A_29, %add3A_28, %dma_start3A_78] : memref<2x2560x128xi32, #tpu.memory_space<hbm>> -> memref<1x40x128xi32, #tpu.memory_space<hbm>>
      %dma_start3A_80 = tpu.memref_squeeze %dma_start3A_79 : memref<1x40x128xi32, #tpu.memory_space<hbm>> -> memref<40x128xi32, #tpu.memory_space<hbm>>
      %dma_start3A_81 = arith.constant 0 : i32
      %dma_start3A_82 = tpu.memref_slice %arg2[%run_scoped3A_29, %add3A_28, %dma_start3A_81] : memref<2x2560x128xi32, #tpu.memory_space<hbm>> -> memref<1x40x128xi32, #tpu.memory_space<hbm>>
      %dma_start3A_83 = tpu.memref_squeeze %dma_start3A_82 : memref<1x40x128xi32, #tpu.memory_space<hbm>> -> memref<40x128xi32, #tpu.memory_space<hbm>>
      tpu.enqueue_dma source(%dma_start3A_83 : memref<40x128xi32, #tpu.memory_space<hbm>>) target(%arg6 : memref<40x128xi32, #tpu.memory_space<vmem>>) target_semaphore(%run_scoped3A_77 : memref<!tpu.dma_semaphore, #tpu.memory_space<semaphore_mem>>)
      %dma_wait3A_84 = arith.constant 0 : i32
      %dma_wait3A_85 = tpu.memref_slice %arg2[%run_scoped3A_29, %add3A_28, %dma_wait3A_84] : memref<2x2560x128xi32, #tpu.memory_space<hbm>> -> memref<1x40x128xi32, #tpu.memory_space<hbm>>
      %dma_wait3A_86 = tpu.memref_squeeze %dma_wait3A_85 : memref<1x40x128xi32, #tpu.memory_space<hbm>> -> memref<40x128xi32, #tpu.memory_space<hbm>>
      %dma_wait3A_87 = arith.constant 0 : i32
      %dma_wait3A_88 = tpu.memref_slice %arg2[%run_scoped3A_29, %add3A_28, %dma_wait3A_87] : memref<2x2560x128xi32, #tpu.memory_space<hbm>> -> memref<1x40x128xi32, #tpu.memory_space<hbm>>
      %dma_wait3A_89 = tpu.memref_squeeze %dma_wait3A_88 : memref<1x40x128xi32, #tpu.memory_space<hbm>> -> memref<40x128xi32, #tpu.memory_space<hbm>>
      tpu.wait_dma2 semaphore(%run_scoped3A_77 : memref<!tpu.dma_semaphore, #tpu.memory_space<semaphore_mem>>) src(%dma_wait3A_89 : memref<40x128xi32, #tpu.memory_space<hbm>>) dst(%arg6 : memref<40x128xi32, #tpu.memory_space<vmem>>)
      tpu.yield
    }) : () -> ()
    %dma_start3A = arith.constant 0 : i32
    %dma_start3A_30 = arith.constant 0 : i32
    %dma_start3A_31 = tpu.memref_slice %arg5[%dma_start3A, %dma_start3A_30] : memref<40x128xi32, #tpu.memory_space<vmem>> -> memref<1x128xi32, #tpu.memory_space<vmem>>
    %dma_start3A_32 = tpu.memref_squeeze %dma_start3A_31 : memref<1x128xi32, #tpu.memory_space<vmem>> -> memref<128xi32, #tpu.memory_space<vmem>>
    %dma_start3A_33 = arith.constant 0 : i32
    %dma_start3A_34 = arith.constant 0 : i32
    %dma_start3A_35 = tpu.memref_slice %arg3[%dma_start3A_33, %dma_start3A_34] : memref<10240x128xf32, #tpu.memory_space<hbm>> -> memref<10240x128xf32, #tpu.memory_space<hbm>>
    tpu.enqueue_indirect_dma source(%dma_start3A_35 : memref<10240x128xf32, #tpu.memory_space<hbm>>) target(%arg7 : memref<128x128xf32, #tpu.memory_space<vmem>>) offsets(%dma_start3A_32 : memref<128xi32, #tpu.memory_space<vmem>>) semaphore(%arg9 : memref<!tpu.dma_semaphore, #tpu.memory_space<semaphore_mem>>)
    %scan3A_36 = arith.constant 0 : i32
    %scan3A_37 = arith.constant 20 : i32
    %scan3A_38 = arith.addi %scan3A_36, %scan3A_37 : i32
    %scan3A_39 = arith.constant 1 : i32
    scf.for %scan3A_77 = %scan3A_36 to %scan3A_38 step %scan3A_39  : i32 {
      %mul3A_78 = arith.constant 2 : i32
      %mul3A_79 = arith.muli %scan3A_77, %mul3A_78 : i32
      %add3A_80 = arith.constant 0 : i32
      %add3A_81 = arith.addi %add3A_80, %mul3A_79 : i32
      %add3A_82 = arith.constant 0 : i32
      %add3A_83 = arith.addi %add3A_81, %add3A_82 : i32
      %ge3A = arith.constant 1 : i32
      %ge3A_84 = arith.cmpi sge, %add3A_83, %ge3A : i32
      %convert_element_type3A = arith.extui %ge3A_84 : i1 to i32
      %cond3A = arith.constant 0 : i32
      %cond3A_85 = arith.cmpi ne, %convert_element_type3A, %cond3A : i32
      scf.if %cond3A_85 {
        %sub3A = arith.constant 1 : i32
        %sub3A_130 = arith.subi %add3A_83, %sub3A : i32
        %dma_wait3A_131 = arith.constant 0 : i32
        %dma_wait3A_132 = tpu.memref_slice %arg6[%sub3A_130, %dma_wait3A_131] : memref<40x128xi32, #tpu.memory_space<vmem>> -> memref<1x128xi32, #tpu.memory_space<vmem>>
        %dma_wait3A_133 = tpu.memref_squeeze %dma_wait3A_132 : memref<1x128xi32, #tpu.memory_space<vmem>> -> memref<128xi32, #tpu.memory_space<vmem>>
        %dma_wait3A_134 = arith.constant 0 : i32
        %dma_wait3A_135 = arith.constant 0 : i32
        %dma_wait3A_136 = tpu.memref_slice %arg13[%dma_wait3A_134, %dma_wait3A_135] : memref<10240x128xf32, #tpu.memory_space<vmem_shared>> -> memref<10240x128xf32, #tpu.memory_space<vmem_shared>>
        tpu.wait_indirect_dma semaphore(%arg12 : memref<!tpu.dma_semaphore, #tpu.memory_space<semaphore_mem>>) src(%arg8 : memref<128x128xf32, #tpu.memory_space<vmem>>) dst(%dma_wait3A_136 : memref<10240x128xf32, #tpu.memory_space<vmem_shared>>)
      } else {
      }
      %add3A_86 = arith.constant 1 : i32
      %add3A_87 = arith.addi %add3A_83, %add3A_86 : i32
      %lt3A = arith.constant 40 : i32
      %lt3A_88 = arith.cmpi slt, %add3A_87, %lt3A : i32
      %convert_element_type3A_89 = arith.extui %lt3A_88 : i1 to i32
      %cond3A_90 = arith.constant 0 : i32
      %cond3A_91 = arith.cmpi ne, %convert_element_type3A_89, %cond3A_90 : i32
      scf.if %cond3A_91 {
        %add3A_130 = arith.constant 1 : i32
        %add3A_131 = arith.addi %add3A_83, %add3A_130 : i32
        %dma_start3A_132 = arith.constant 0 : i32
        %dma_start3A_133 = tpu.memref_slice %arg5[%add3A_131, %dma_start3A_132] : memref<40x128xi32, #tpu.memory_space<vmem>> -> memref<1x128xi32, #tpu.memory_space<vmem>>
        %dma_start3A_134 = tpu.memref_squeeze %dma_start3A_133 : memref<1x128xi32, #tpu.memory_space<vmem>> -> memref<128xi32, #tpu.memory_space<vmem>>
        %dma_start3A_135 = arith.constant 0 : i32
        %dma_start3A_136 = arith.constant 0 : i32
        %dma_start3A_137 = tpu.memref_slice %arg3[%dma_start3A_135, %dma_start3A_136] : memref<10240x128xf32, #tpu.memory_space<hbm>> -> memref<10240x128xf32, #tpu.memory_space<hbm>>
        tpu.enqueue_indirect_dma source(%dma_start3A_137 : memref<10240x128xf32, #tpu.memory_space<hbm>>) target(%arg8 : memref<128x128xf32, #tpu.memory_space<vmem>>) offsets(%dma_start3A_134 : memref<128xi32, #tpu.memory_space<vmem>>) semaphore(%arg10 : memref<!tpu.dma_semaphore, #tpu.memory_space<semaphore_mem>>)
      } else {
      }
      %dma_wait3A_92 = arith.constant 0 : i32
      %dma_wait3A_93 = tpu.memref_slice %arg5[%add3A_83, %dma_wait3A_92] : memref<40x128xi32, #tpu.memory_space<vmem>> -> memref<1x128xi32, #tpu.memory_space<vmem>>
      %dma_wait3A_94 = tpu.memref_squeeze %dma_wait3A_93 : memref<1x128xi32, #tpu.memory_space<vmem>> -> memref<128xi32, #tpu.memory_space<vmem>>
      %dma_wait3A_95 = arith.constant 0 : i32
      %dma_wait3A_96 = arith.constant 0 : i32
      %dma_wait3A_97 = tpu.memref_slice %arg3[%dma_wait3A_95, %dma_wait3A_96] : memref<10240x128xf32, #tpu.memory_space<hbm>> -> memref<10240x128xf32, #tpu.memory_space<hbm>>
      tpu.wait_indirect_dma semaphore(%arg9 : memref<!tpu.dma_semaphore, #tpu.memory_space<semaphore_mem>>) src(%dma_wait3A_97 : memref<10240x128xf32, #tpu.memory_space<hbm>>) dst(%arg7 : memref<128x128xf32, #tpu.memory_space<vmem>>)
      %dma_start3A_98 = arith.constant 0 : i32
      %dma_start3A_99 = tpu.memref_slice %arg6[%add3A_83, %dma_start3A_98] : memref<40x128xi32, #tpu.memory_space<vmem>> -> memref<1x128xi32, #tpu.memory_space<vmem>>
      %dma_start3A_100 = tpu.memref_squeeze %dma_start3A_99 : memref<1x128xi32, #tpu.memory_space<vmem>> -> memref<128xi32, #tpu.memory_space<vmem>>
      %dma_start3A_101 = arith.constant 0 : i32
      %dma_start3A_102 = arith.constant 0 : i32
      %dma_start3A_103 = tpu.memref_slice %arg13[%dma_start3A_101, %dma_start3A_102] : memref<10240x128xf32, #tpu.memory_space<vmem_shared>> -> memref<10240x128xf32, #tpu.memory_space<vmem_shared>>
      tpu.enqueue_indirect_dma source(%arg7 : memref<128x128xf32, #tpu.memory_space<vmem>>) target(%dma_start3A_103 : memref<10240x128xf32, #tpu.memory_space<vmem_shared>>) offsets(%dma_start3A_100 : memref<128xi32, #tpu.memory_space<vmem>>) semaphore(%arg11 : memref<!tpu.dma_semaphore, #tpu.memory_space<semaphore_mem>>) {add = true}
      %add3A_104 = arith.constant 1 : i32
      %add3A_105 = arith.addi %add3A_81, %add3A_104 : i32
      %ge3A_106 = arith.constant 1 : i32
      %ge3A_107 = arith.cmpi sge, %add3A_105, %ge3A_106 : i32
      %convert_element_type3A_108 = arith.extui %ge3A_107 : i1 to i32
      %cond3A_109 = arith.constant 0 : i32
      %cond3A_110 = arith.cmpi ne, %convert_element_type3A_108, %cond3A_109 : i32
      scf.if %cond3A_110 {
        %sub3A = arith.constant 1 : i32
        %sub3A_130 = arith.subi %add3A_105, %sub3A : i32
        %dma_wait3A_131 = arith.constant 0 : i32
        %dma_wait3A_132 = tpu.memref_slice %arg6[%sub3A_130, %dma_wait3A_131] : memref<40x128xi32, #tpu.memory_space<vmem>> -> memref<1x128xi32, #tpu.memory_space<vmem>>
        %dma_wait3A_133 = tpu.memref_squeeze %dma_wait3A_132 : memref<1x128xi32, #tpu.memory_space<vmem>> -> memref<128xi32, #tpu.memory_space<vmem>>
        %dma_wait3A_134 = arith.constant 0 : i32
        %dma_wait3A_135 = arith.constant 0 : i32
        %dma_wait3A_136 = tpu.memref_slice %arg13[%dma_wait3A_134, %dma_wait3A_135] : memref<10240x128xf32, #tpu.memory_space<vmem_shared>> -> memref<10240x128xf32, #tpu.memory_space<vmem_shared>>
        tpu.wait_indirect_dma semaphore(%arg11 : memref<!tpu.dma_semaphore, #tpu.memory_space<semaphore_mem>>) src(%arg7 : memref<128x128xf32, #tpu.memory_space<vmem>>) dst(%dma_wait3A_136 : memref<10240x128xf32, #tpu.memory_space<vmem_shared>>)
      } else {
      }
      %add3A_111 = arith.constant 1 : i32
      %add3A_112 = arith.addi %add3A_105, %add3A_111 : i32
      %lt3A_113 = arith.constant 40 : i32
      %lt3A_114 = arith.cmpi slt, %add3A_112, %lt3A_113 : i32
      %convert_element_type3A_115 = arith.extui %lt3A_114 : i1 to i32
      %cond3A_116 = arith.constant 0 : i32
      %cond3A_117 = arith.cmpi ne, %convert_element_type3A_115, %cond3A_116 : i32
      scf.if %cond3A_117 {
        %add3A_130 = arith.constant 1 : i32
        %add3A_131 = arith.addi %add3A_105, %add3A_130 : i32
        %dma_start3A_132 = arith.constant 0 : i32
        %dma_start3A_133 = tpu.memref_slice %arg5[%add3A_131, %dma_start3A_132] : memref<40x128xi32, #tpu.memory_space<vmem>> -> memref<1x128xi32, #tpu.memory_space<vmem>>
        %dma_start3A_134 = tpu.memref_squeeze %dma_start3A_133 : memref<1x128xi32, #tpu.memory_space<vmem>> -> memref<128xi32, #tpu.memory_space<vmem>>
        %dma_start3A_135 = arith.constant 0 : i32
        %dma_start3A_136 = arith.constant 0 : i32
        %dma_start3A_137 = tpu.memref_slice %arg3[%dma_start3A_135, %dma_start3A_136] : memref<10240x128xf32, #tpu.memory_space<hbm>> -> memref<10240x128xf32, #tpu.memory_space<hbm>>
        tpu.enqueue_indirect_dma source(%dma_start3A_137 : memref<10240x128xf32, #tpu.memory_space<hbm>>) target(%arg7 : memref<128x128xf32, #tpu.memory_space<vmem>>) offsets(%dma_start3A_134 : memref<128xi32, #tpu.memory_space<vmem>>) semaphore(%arg9 : memref<!tpu.dma_semaphore, #tpu.memory_space<semaphore_mem>>)
      } else {
      }
      %dma_wait3A_118 = arith.constant 0 : i32
      %dma_wait3A_119 = tpu.memref_slice %arg5[%add3A_105, %dma_wait3A_118] : memref<40x128xi32, #tpu.memory_space<vmem>> -> memref<1x128xi32, #tpu.memory_space<vmem>>
      %dma_wait3A_120 = tpu.memref_squeeze %dma_wait3A_119 : memref<1x128xi32, #tpu.memory_space<vmem>> -> memref<128xi32, #tpu.memory_space<vmem>>
      %dma_wait3A_121 = arith.constant 0 : i32
      %dma_wait3A_122 = arith.constant 0 : i32
      %dma_wait3A_123 = tpu.memref_slice %arg3[%dma_wait3A_121, %dma_wait3A_122] : memref<10240x128xf32, #tpu.memory_space<hbm>> -> memref<10240x128xf32, #tpu.memory_space<hbm>>
      tpu.wait_indirect_dma semaphore(%arg10 : memref<!tpu.dma_semaphore, #tpu.memory_space<semaphore_mem>>) src(%dma_wait3A_123 : memref<10240x128xf32, #tpu.memory_space<hbm>>) dst(%arg8 : memref<128x128xf32, #tpu.memory_space<vmem>>)
      %dma_start3A_124 = arith.constant 0 : i32
      %dma_start3A_125 = tpu.memref_slice %arg6[%add3A_105, %dma_start3A_124] : memref<40x128xi32, #tpu.memory_space<vmem>> -> memref<1x128xi32, #tpu.memory_space<vmem>>
      %dma_start3A_126 = tpu.memref_squeeze %dma_start3A_125 : memref<1x128xi32, #tpu.memory_space<vmem>> -> memref<128xi32, #tpu.memory_space<vmem>>
      %dma_start3A_127 = arith.constant 0 : i32
      %dma_start3A_128 = arith.constant 0 : i32
      %dma_start3A_129 = tpu.memref_slice %arg13[%dma_start3A_127, %dma_start3A_128] : memref<10240x128xf32, #tpu.memory_space<vmem_shared>> -> memref<10240x128xf32, #tpu.memory_space<vmem_shared>>
      tpu.enqueue_indirect_dma source(%arg8 : memref<128x128xf32, #tpu.memory_space<vmem>>) target(%dma_start3A_129 : memref<10240x128xf32, #tpu.memory_space<vmem_shared>>) offsets(%dma_start3A_126 : memref<128xi32, #tpu.memory_space<vmem>>) semaphore(%arg12 : memref<!tpu.dma_semaphore, #tpu.memory_space<semaphore_mem>>) {add = true}
    }
    %scan3A_40 = arith.constant 20 : i32
    %dma_wait3A = arith.constant 39 : i32
    %dma_wait3A_41 = arith.constant 0 : i32
    %dma_wait3A_42 = tpu.memref_slice %arg6[%dma_wait3A, %dma_wait3A_41] : memref<40x128xi32, #tpu.memory_space<vmem>> -> memref<1x128xi32, #tpu.memory_space<vmem>>
    %dma_wait3A_43 = tpu.memref_squeeze %dma_wait3A_42 : memref<1x128xi32, #tpu.memory_space<vmem>> -> memref<128xi32, #tpu.memory_space<vmem>>
    %dma_wait3A_44 = arith.constant 0 : i32
    %dma_wait3A_45 = arith.constant 0 : i32
    %dma_wait3A_46 = tpu.memref_slice %arg13[%dma_wait3A_44, %dma_wait3A_45] : memref<10240x128xf32, #tpu.memory_space<vmem_shared>> -> memref<10240x128xf32, #tpu.memory_space<vmem_shared>>
    tpu.wait_indirect_dma semaphore(%arg12 : memref<!tpu.dma_semaphore, #tpu.memory_space<semaphore_mem>>) src(%arg8 : memref<128x128xf32, #tpu.memory_space<vmem>>) dst(%dma_wait3A_46 : memref<10240x128xf32, #tpu.memory_space<vmem_shared>>)
    %mul3A_47 = arith.constant 80 : i32
    %mul3A_48 = arith.muli %add3A, %mul3A_47 : i32
    %add3A_49 = arith.constant 40 : i32
    %add3A_50 = arith.addi %mul3A_48, %add3A_49 : i32
    %run_scoped3A_51 = arith.constant 0 : i32
    "tpu.region"() ({
      %run_scoped3A_77 = tpu.sem_alloc : memref<!tpu.dma_semaphore, #tpu.memory_space<semaphore_mem>>
      %dma_start3A_78 = arith.constant 0 : i32
      %dma_start3A_79 = tpu.memref_slice %arg2[%run_scoped3A_51, %add3A_50, %dma_start3A_78] : memref<2x2560x128xi32, #tpu.memory_space<hbm>> -> memref<1x40x128xi32, #tpu.memory_space<hbm>>
      %dma_start3A_80 = tpu.memref_squeeze %dma_start3A_79 : memref<1x40x128xi32, #tpu.memory_space<hbm>> -> memref<40x128xi32, #tpu.memory_space<hbm>>
      %dma_start3A_81 = arith.constant 0 : i32
      %dma_start3A_82 = tpu.memref_slice %arg2[%run_scoped3A_51, %add3A_50, %dma_start3A_81] : memref<2x2560x128xi32, #tpu.memory_space<hbm>> -> memref<1x40x128xi32, #tpu.memory_space<hbm>>
      %dma_start3A_83 = tpu.memref_squeeze %dma_start3A_82 : memref<1x40x128xi32, #tpu.memory_space<hbm>> -> memref<40x128xi32, #tpu.memory_space<hbm>>
      tpu.enqueue_dma source(%dma_start3A_83 : memref<40x128xi32, #tpu.memory_space<hbm>>) target(%arg5 : memref<40x128xi32, #tpu.memory_space<vmem>>) target_semaphore(%run_scoped3A_77 : memref<!tpu.dma_semaphore, #tpu.memory_space<semaphore_mem>>)
      %dma_wait3A_84 = arith.constant 0 : i32
      %dma_wait3A_85 = tpu.memref_slice %arg2[%run_scoped3A_51, %add3A_50, %dma_wait3A_84] : memref<2x2560x128xi32, #tpu.memory_space<hbm>> -> memref<1x40x128xi32, #tpu.memory_space<hbm>>
      %dma_wait3A_86 = tpu.memref_squeeze %dma_wait3A_85 : memref<1x40x128xi32, #tpu.memory_space<hbm>> -> memref<40x128xi32, #tpu.memory_space<hbm>>
      %dma_wait3A_87 = arith.constant 0 : i32
      %dma_wait3A_88 = tpu.memref_slice %arg2[%run_scoped3A_51, %add3A_50, %dma_wait3A_87] : memref<2x2560x128xi32, #tpu.memory_space<hbm>> -> memref<1x40x128xi32, #tpu.memory_space<hbm>>
      %dma_wait3A_89 = tpu.memref_squeeze %dma_wait3A_88 : memref<1x40x128xi32, #tpu.memory_space<hbm>> -> memref<40x128xi32, #tpu.memory_space<hbm>>
      tpu.wait_dma2 semaphore(%run_scoped3A_77 : memref<!tpu.dma_semaphore, #tpu.memory_space<semaphore_mem>>) src(%dma_wait3A_89 : memref<40x128xi32, #tpu.memory_space<hbm>>) dst(%arg5 : memref<40x128xi32, #tpu.memory_space<vmem>>)
      tpu.yield
    }) : () -> ()
    %run_scoped3A_52 = arith.constant 1 : i32
    "tpu.region"() ({
      %run_scoped3A_77 = tpu.sem_alloc : memref<!tpu.dma_semaphore, #tpu.memory_space<semaphore_mem>>
      %dma_start3A_78 = arith.constant 0 : i32
      %dma_start3A_79 = tpu.memref_slice %arg2[%run_scoped3A_52, %add3A_50, %dma_start3A_78] : memref<2x2560x128xi32, #tpu.memory_space<hbm>> -> memref<1x40x128xi32, #tpu.memory_space<hbm>>
      %dma_start3A_80 = tpu.memref_squeeze %dma_start3A_79 : memref<1x40x128xi32, #tpu.memory_space<hbm>> -> memref<40x128xi32, #tpu.memory_space<hbm>>
      %dma_start3A_81 = arith.constant 0 : i32
      %dma_start3A_82 = tpu.memref_slice %arg2[%run_scoped3A_52, %add3A_50, %dma_start3A_81] : memref<2x2560x128xi32, #tpu.memory_space<hbm>> -> memref<1x40x128xi32, #tpu.memory_space<hbm>>
      %dma_start3A_83 = tpu.memref_squeeze %dma_start3A_82 : memref<1x40x128xi32, #tpu.memory_space<hbm>> -> memref<40x128xi32, #tpu.memory_space<hbm>>
      tpu.enqueue_dma source(%dma_start3A_83 : memref<40x128xi32, #tpu.memory_space<hbm>>) target(%arg6 : memref<40x128xi32, #tpu.memory_space<vmem>>) target_semaphore(%run_scoped3A_77 : memref<!tpu.dma_semaphore, #tpu.memory_space<semaphore_mem>>)
      %dma_wait3A_84 = arith.constant 0 : i32
      %dma_wait3A_85 = tpu.memref_slice %arg2[%run_scoped3A_52, %add3A_50, %dma_wait3A_84] : memref<2x2560x128xi32, #tpu.memory_space<hbm>> -> memref<1x40x128xi32, #tpu.memory_space<hbm>>
      %dma_wait3A_86 = tpu.memref_squeeze %dma_wait3A_85 : memref<1x40x128xi32, #tpu.memory_space<hbm>> -> memref<40x128xi32, #tpu.memory_space<hbm>>
      %dma_wait3A_87 = arith.constant 0 : i32
      %dma_wait3A_88 = tpu.memref_slice %arg2[%run_scoped3A_52, %add3A_50, %dma_wait3A_87] : memref<2x2560x128xi32, #tpu.memory_space<hbm>> -> memref<1x40x128xi32, #tpu.memory_space<hbm>>
      %dma_wait3A_89 = tpu.memref_squeeze %dma_wait3A_88 : memref<1x40x128xi32, #tpu.memory_space<hbm>> -> memref<40x128xi32, #tpu.memory_space<hbm>>
      tpu.wait_dma2 semaphore(%run_scoped3A_77 : memref<!tpu.dma_semaphore, #tpu.memory_space<semaphore_mem>>) src(%dma_wait3A_89 : memref<40x128xi32, #tpu.memory_space<hbm>>) dst(%arg6 : memref<40x128xi32, #tpu.memory_space<vmem>>)
      tpu.yield
    }) : () -> ()
    %dma_start3A_53 = arith.constant 0 : i32
    %dma_start3A_54 = arith.constant 0 : i32
    %dma_start3A_55 = tpu.memref_slice %arg5[%dma_start3A_53, %dma_start3A_54] : memref<40x128xi32, #tpu.memory_space<vmem>> -> memref<1x128xi32, #tpu.memory_space<vmem>>
    %dma_start3A_56 = tpu.memref_squeeze %dma_start3A_55 : memref<1x128xi32, #tpu.memory_space<vmem>> -> memref<128xi32, #tpu.memory_space<vmem>>
    %dma_start3A_57 = arith.constant 0 : i32
    %dma_start3A_58 = arith.constant 0 : i32
    %dma_start3A_59 = tpu.memref_slice %arg3[%dma_start3A_57, %dma_start3A_58] : memref<10240x128xf32, #tpu.memory_space<hbm>> -> memref<10240x128xf32, #tpu.memory_space<hbm>>
    tpu.enqueue_indirect_dma source(%dma_start3A_59 : memref<10240x128xf32, #tpu.memory_space<hbm>>) target(%arg7 : memref<128x128xf32, #tpu.memory_space<vmem>>) offsets(%dma_start3A_56 : memref<128xi32, #tpu.memory_space<vmem>>) semaphore(%arg9 : memref<!tpu.dma_semaphore, #tpu.memory_space<semaphore_mem>>)
    %scan3A_60 = arith.constant 0 : i32
    %scan3A_61 = arith.constant 20 : i32
    %scan3A_62 = arith.addi %scan3A_60, %scan3A_61 : i32
    %scan3A_63 = arith.constant 1 : i32
    scf.for %scan3A_77 = %scan3A_60 to %scan3A_62 step %scan3A_63  : i32 {
      %mul3A_78 = arith.constant 2 : i32
      %mul3A_79 = arith.muli %scan3A_77, %mul3A_78 : i32
      %add3A_80 = arith.constant 0 : i32
      %add3A_81 = arith.addi %add3A_80, %mul3A_79 : i32
      %add3A_82 = arith.constant 0 : i32
      %add3A_83 = arith.addi %add3A_81, %add3A_82 : i32
      %ge3A = arith.constant 1 : i32
      %ge3A_84 = arith.cmpi sge, %add3A_83, %ge3A : i32
      %convert_element_type3A = arith.extui %ge3A_84 : i1 to i32
      %cond3A = arith.constant 0 : i32
      %cond3A_85 = arith.cmpi ne, %convert_element_type3A, %cond3A : i32
      scf.if %cond3A_85 {
        %sub3A = arith.constant 1 : i32
        %sub3A_130 = arith.subi %add3A_83, %sub3A : i32
        %dma_wait3A_131 = arith.constant 0 : i32
        %dma_wait3A_132 = tpu.memref_slice %arg6[%sub3A_130, %dma_wait3A_131] : memref<40x128xi32, #tpu.memory_space<vmem>> -> memref<1x128xi32, #tpu.memory_space<vmem>>
        %dma_wait3A_133 = tpu.memref_squeeze %dma_wait3A_132 : memref<1x128xi32, #tpu.memory_space<vmem>> -> memref<128xi32, #tpu.memory_space<vmem>>
        %dma_wait3A_134 = arith.constant 0 : i32
        %dma_wait3A_135 = arith.constant 0 : i32
        %dma_wait3A_136 = tpu.memref_slice %arg13[%dma_wait3A_134, %dma_wait3A_135] : memref<10240x128xf32, #tpu.memory_space<vmem_shared>> -> memref<10240x128xf32, #tpu.memory_space<vmem_shared>>
        tpu.wait_indirect_dma semaphore(%arg12 : memref<!tpu.dma_semaphore, #tpu.memory_space<semaphore_mem>>) src(%arg8 : memref<128x128xf32, #tpu.memory_space<vmem>>) dst(%dma_wait3A_136 : memref<10240x128xf32, #tpu.memory_space<vmem_shared>>)
      } else {
      }
      %add3A_86 = arith.constant 1 : i32
      %add3A_87 = arith.addi %add3A_83, %add3A_86 : i32
      %lt3A = arith.constant 40 : i32
      %lt3A_88 = arith.cmpi slt, %add3A_87, %lt3A : i32
      %convert_element_type3A_89 = arith.extui %lt3A_88 : i1 to i32
      %cond3A_90 = arith.constant 0 : i32
      %cond3A_91 = arith.cmpi ne, %convert_element_type3A_89, %cond3A_90 : i32
      scf.if %cond3A_91 {
        %add3A_130 = arith.constant 1 : i32
        %add3A_131 = arith.addi %add3A_83, %add3A_130 : i32
        %dma_start3A_132 = arith.constant 0 : i32
        %dma_start3A_133 = tpu.memref_slice %arg5[%add3A_131, %dma_start3A_132] : memref<40x128xi32, #tpu.memory_space<vmem>> -> memref<1x128xi32, #tpu.memory_space<vmem>>
        %dma_start3A_134 = tpu.memref_squeeze %dma_start3A_133 : memref<1x128xi32, #tpu.memory_space<vmem>> -> memref<128xi32, #tpu.memory_space<vmem>>
        %dma_start3A_135 = arith.constant 0 : i32
        %dma_start3A_136 = arith.constant 0 : i32
        %dma_start3A_137 = tpu.memref_slice %arg3[%dma_start3A_135, %dma_start3A_136] : memref<10240x128xf32, #tpu.memory_space<hbm>> -> memref<10240x128xf32, #tpu.memory_space<hbm>>
        tpu.enqueue_indirect_dma source(%dma_start3A_137 : memref<10240x128xf32, #tpu.memory_space<hbm>>) target(%arg8 : memref<128x128xf32, #tpu.memory_space<vmem>>) offsets(%dma_start3A_134 : memref<128xi32, #tpu.memory_space<vmem>>) semaphore(%arg10 : memref<!tpu.dma_semaphore, #tpu.memory_space<semaphore_mem>>)
      } else {
      }
      %dma_wait3A_92 = arith.constant 0 : i32
      %dma_wait3A_93 = tpu.memref_slice %arg5[%add3A_83, %dma_wait3A_92] : memref<40x128xi32, #tpu.memory_space<vmem>> -> memref<1x128xi32, #tpu.memory_space<vmem>>
      %dma_wait3A_94 = tpu.memref_squeeze %dma_wait3A_93 : memref<1x128xi32, #tpu.memory_space<vmem>> -> memref<128xi32, #tpu.memory_space<vmem>>
      %dma_wait3A_95 = arith.constant 0 : i32
      %dma_wait3A_96 = arith.constant 0 : i32
      %dma_wait3A_97 = tpu.memref_slice %arg3[%dma_wait3A_95, %dma_wait3A_96] : memref<10240x128xf32, #tpu.memory_space<hbm>> -> memref<10240x128xf32, #tpu.memory_space<hbm>>
      tpu.wait_indirect_dma semaphore(%arg9 : memref<!tpu.dma_semaphore, #tpu.memory_space<semaphore_mem>>) src(%dma_wait3A_97 : memref<10240x128xf32, #tpu.memory_space<hbm>>) dst(%arg7 : memref<128x128xf32, #tpu.memory_space<vmem>>)
      %dma_start3A_98 = arith.constant 0 : i32
      %dma_start3A_99 = tpu.memref_slice %arg6[%add3A_83, %dma_start3A_98] : memref<40x128xi32, #tpu.memory_space<vmem>> -> memref<1x128xi32, #tpu.memory_space<vmem>>
      %dma_start3A_100 = tpu.memref_squeeze %dma_start3A_99 : memref<1x128xi32, #tpu.memory_space<vmem>> -> memref<128xi32, #tpu.memory_space<vmem>>
      %dma_start3A_101 = arith.constant 0 : i32
      %dma_start3A_102 = arith.constant 0 : i32
      %dma_start3A_103 = tpu.memref_slice %arg13[%dma_start3A_101, %dma_start3A_102] : memref<10240x128xf32, #tpu.memory_space<vmem_shared>> -> memref<10240x128xf32, #tpu.memory_space<vmem_shared>>
      tpu.enqueue_indirect_dma source(%arg7 : memref<128x128xf32, #tpu.memory_space<vmem>>) target(%dma_start3A_103 : memref<10240x128xf32, #tpu.memory_space<vmem_shared>>) offsets(%dma_start3A_100 : memref<128xi32, #tpu.memory_space<vmem>>) semaphore(%arg11 : memref<!tpu.dma_semaphore, #tpu.memory_space<semaphore_mem>>) {add = true}
      %add3A_104 = arith.constant 1 : i32
      %add3A_105 = arith.addi %add3A_81, %add3A_104 : i32
      %ge3A_106 = arith.constant 1 : i32
      %ge3A_107 = arith.cmpi sge, %add3A_105, %ge3A_106 : i32
      %convert_element_type3A_108 = arith.extui %ge3A_107 : i1 to i32
      %cond3A_109 = arith.constant 0 : i32
      %cond3A_110 = arith.cmpi ne, %convert_element_type3A_108, %cond3A_109 : i32
      scf.if %cond3A_110 {
        %sub3A = arith.constant 1 : i32
        %sub3A_130 = arith.subi %add3A_105, %sub3A : i32
        %dma_wait3A_131 = arith.constant 0 : i32
        %dma_wait3A_132 = tpu.memref_slice %arg6[%sub3A_130, %dma_wait3A_131] : memref<40x128xi32, #tpu.memory_space<vmem>> -> memref<1x128xi32, #tpu.memory_space<vmem>>
        %dma_wait3A_133 = tpu.memref_squeeze %dma_wait3A_132 : memref<1x128xi32, #tpu.memory_space<vmem>> -> memref<128xi32, #tpu.memory_space<vmem>>
        %dma_wait3A_134 = arith.constant 0 : i32
        %dma_wait3A_135 = arith.constant 0 : i32
        %dma_wait3A_136 = tpu.memref_slice %arg13[%dma_wait3A_134, %dma_wait3A_135] : memref<10240x128xf32, #tpu.memory_space<vmem_shared>> -> memref<10240x128xf32, #tpu.memory_space<vmem_shared>>
        tpu.wait_indirect_dma semaphore(%arg11 : memref<!tpu.dma_semaphore, #tpu.memory_space<semaphore_mem>>) src(%arg7 : memref<128x128xf32, #tpu.memory_space<vmem>>) dst(%dma_wait3A_136 : memref<10240x128xf32, #tpu.memory_space<vmem_shared>>)
      } else {
      }
      %add3A_111 = arith.constant 1 : i32
      %add3A_112 = arith.addi %add3A_105, %add3A_111 : i32
      %lt3A_113 = arith.constant 40 : i32
      %lt3A_114 = arith.cmpi slt, %add3A_112, %lt3A_113 : i32
      %convert_element_type3A_115 = arith.extui %lt3A_114 : i1 to i32
      %cond3A_116 = arith.constant 0 : i32
      %cond3A_117 = arith.cmpi ne, %convert_element_type3A_115, %cond3A_116 : i32
      scf.if %cond3A_117 {
        %add3A_130 = arith.constant 1 : i32
        %add3A_131 = arith.addi %add3A_105, %add3A_130 : i32
        %dma_start3A_132 = arith.constant 0 : i32
        %dma_start3A_133 = tpu.memref_slice %arg5[%add3A_131, %dma_start3A_132] : memref<40x128xi32, #tpu.memory_space<vmem>> -> memref<1x128xi32, #tpu.memory_space<vmem>>
        %dma_start3A_134 = tpu.memref_squeeze %dma_start3A_133 : memref<1x128xi32, #tpu.memory_space<vmem>> -> memref<128xi32, #tpu.memory_space<vmem>>
        %dma_start3A_135 = arith.constant 0 : i32
        %dma_start3A_136 = arith.constant 0 : i32
        %dma_start3A_137 = tpu.memref_slice %arg3[%dma_start3A_135, %dma_start3A_136] : memref<10240x128xf32, #tpu.memory_space<hbm>> -> memref<10240x128xf32, #tpu.memory_space<hbm>>
        tpu.enqueue_indirect_dma source(%dma_start3A_137 : memref<10240x128xf32, #tpu.memory_space<hbm>>) target(%arg7 : memref<128x128xf32, #tpu.memory_space<vmem>>) offsets(%dma_start3A_134 : memref<128xi32, #tpu.memory_space<vmem>>) semaphore(%arg9 : memref<!tpu.dma_semaphore, #tpu.memory_space<semaphore_mem>>)
      } else {
      }
      %dma_wait3A_118 = arith.constant 0 : i32
      %dma_wait3A_119 = tpu.memref_slice %arg5[%add3A_105, %dma_wait3A_118] : memref<40x128xi32, #tpu.memory_space<vmem>> -> memref<1x128xi32, #tpu.memory_space<vmem>>
      %dma_wait3A_120 = tpu.memref_squeeze %dma_wait3A_119 : memref<1x128xi32, #tpu.memory_space<vmem>> -> memref<128xi32, #tpu.memory_space<vmem>>
      %dma_wait3A_121 = arith.constant 0 : i32
      %dma_wait3A_122 = arith.constant 0 : i32
      %dma_wait3A_123 = tpu.memref_slice %arg3[%dma_wait3A_121, %dma_wait3A_122] : memref<10240x128xf32, #tpu.memory_space<hbm>> -> memref<10240x128xf32, #tpu.memory_space<hbm>>
      tpu.wait_indirect_dma semaphore(%arg10 : memref<!tpu.dma_semaphore, #tpu.memory_space<semaphore_mem>>) src(%dma_wait3A_123 : memref<10240x128xf32, #tpu.memory_space<hbm>>) dst(%arg8 : memref<128x128xf32, #tpu.memory_space<vmem>>)
      %dma_start3A_124 = arith.constant 0 : i32
      %dma_start3A_125 = tpu.memref_slice %arg6[%add3A_105, %dma_start3A_124] : memref<40x128xi32, #tpu.memory_space<vmem>> -> memref<1x128xi32, #tpu.memory_space<vmem>>
      %dma_start3A_126 = tpu.memref_squeeze %dma_start3A_125 : memref<1x128xi32, #tpu.memory_space<vmem>> -> memref<128xi32, #tpu.memory_space<vmem>>
      %dma_start3A_127 = arith.constant 0 : i32
      %dma_start3A_128 = arith.constant 0 : i32
      %dma_start3A_129 = tpu.memref_slice %arg13[%dma_start3A_127, %dma_start3A_128] : memref<10240x128xf32, #tpu.memory_space<vmem_shared>> -> memref<10240x128xf32, #tpu.memory_space<vmem_shared>>
      tpu.enqueue_indirect_dma source(%arg8 : memref<128x128xf32, #tpu.memory_space<vmem>>) target(%dma_start3A_129 : memref<10240x128xf32, #tpu.memory_space<vmem_shared>>) offsets(%dma_start3A_126 : memref<128xi32, #tpu.memory_space<vmem>>) semaphore(%arg12 : memref<!tpu.dma_semaphore, #tpu.memory_space<semaphore_mem>>) {add = true}
    }
    %scan3A_64 = arith.constant 20 : i32
    %dma_wait3A_65 = arith.constant 39 : i32
    %dma_wait3A_66 = arith.constant 0 : i32
    %dma_wait3A_67 = tpu.memref_slice %arg6[%dma_wait3A_65, %dma_wait3A_66] : memref<40x128xi32, #tpu.memory_space<vmem>> -> memref<1x128xi32, #tpu.memory_space<vmem>>
    %dma_wait3A_68 = tpu.memref_squeeze %dma_wait3A_67 : memref<1x128xi32, #tpu.memory_space<vmem>> -> memref<128xi32, #tpu.memory_space<vmem>>
    %dma_wait3A_69 = arith.constant 0 : i32
    %dma_wait3A_70 = arith.constant 0 : i32
    %dma_wait3A_71 = tpu.memref_slice %arg13[%dma_wait3A_69, %dma_wait3A_70] : memref<10240x128xf32, #tpu.memory_space<vmem_shared>> -> memref<10240x128xf32, #tpu.memory_space<vmem_shared>>
    tpu.wait_indirect_dma semaphore(%arg12 : memref<!tpu.dma_semaphore, #tpu.memory_space<semaphore_mem>>) src(%arg8 : memref<128x128xf32, #tpu.memory_space<vmem>>) dst(%dma_wait3A_71 : memref<10240x128xf32, #tpu.memory_space<vmem_shared>>)
    %barrier3A_72 = arith.constant 0 : index
    tpu.barrier barrier_id(%barrier3A_72)
    %mul3A_73 = arith.constant 640 : i32
    %mul3A_74 = arith.muli %arg1, %mul3A_73 : i32
    %mul3A_75 = arith.constant 640 : i32
    %mul3A_76 = arith.muli %arg1, %mul3A_75 : i32
    "tpu.region"() ({
      %run_scoped3A_77 = tpu.sem_alloc : memref<!tpu.dma_semaphore, #tpu.memory_space<semaphore_mem>>
      %dma_start3A_78 = arith.constant 0 : i32
      %dma_start3A_79 = tpu.memref_slice %arg4[%arg0, %mul3A_76, %dma_start3A_78] : memref<2x10240x128xf32, #tpu.memory_space<hbm>> -> memref<1x640x128xf32, #tpu.memory_space<hbm>>
      %dma_start3A_80 = tpu.memref_squeeze %dma_start3A_79 : memref<1x640x128xf32, #tpu.memory_space<hbm>> -> memref<640x128xf32, #tpu.memory_space<hbm>>
      %dma_start3A_81 = arith.constant 0 : i32
      %dma_start3A_82 = tpu.memref_slice %arg13[%mul3A_74, %dma_start3A_81] : memref<10240x128xf32, #tpu.memory_space<vmem_shared>> -> memref<640x128xf32, #tpu.memory_space<vmem_shared>>
      tpu.enqueue_dma source(%dma_start3A_82 : memref<640x128xf32, #tpu.memory_space<vmem_shared>>) target(%dma_start3A_80 : memref<640x128xf32, #tpu.memory_space<hbm>>) target_semaphore(%run_scoped3A_77 : memref<!tpu.dma_semaphore, #tpu.memory_space<semaphore_mem>>)
      %dma_wait3A_83 = arith.constant 0 : i32
      %dma_wait3A_84 = tpu.memref_slice %arg4[%arg0, %mul3A_76, %dma_wait3A_83] : memref<2x10240x128xf32, #tpu.memory_space<hbm>> -> memref<1x640x128xf32, #tpu.memory_space<hbm>>
      %dma_wait3A_85 = tpu.memref_squeeze %dma_wait3A_84 : memref<1x640x128xf32, #tpu.memory_space<hbm>> -> memref<640x128xf32, #tpu.memory_space<hbm>>
      %dma_wait3A_86 = arith.constant 0 : i32
      %dma_wait3A_87 = tpu.memref_slice %arg13[%mul3A_74, %dma_wait3A_86] : memref<10240x128xf32, #tpu.memory_space<vmem_shared>> -> memref<640x128xf32, #tpu.memory_space<vmem_shared>>
      tpu.wait_dma2 semaphore(%run_scoped3A_77 : memref<!tpu.dma_semaphore, #tpu.memory_space<semaphore_mem>>) src(%dma_wait3A_87 : memref<640x128xf32, #tpu.memory_space<vmem_shared>>) dst(%dma_wait3A_85 : memref<640x128xf32, #tpu.memory_space<hbm>>)
      tpu.yield
    }) : () -> ()
    return
  }
}

#map = affine_map<(d0, d1) -> (0, 0, 0)>
#map1 = affine_map<(d0, d1) -> (0, 0)>
module attributes {stable_mosaic.version = 14 : i64} {
  func.func @deg_kernel(%arg0: i32, %arg1: i32, %arg2: memref<2x2560x128xi32, #tpu.memory_space<hbm>>, %arg3: memref<2x10240xf32, #tpu.memory_space<hbm>>, %arg4: memref<80x128xi32, #tpu.memory_space<vmem>>, %arg5: memref<128xf32, #tpu.memory_space<vmem>>, %arg6: memref<640xf32, #tpu.memory_space<vmem>>, %arg7: memref<10240xf32, #tpu.memory_space<vmem_shared>>) attributes {dimension_semantics = [#tpu.dimension_semantics<core_parallel>, #tpu.dimension_semantics<subcore_parallel>], iteration_bounds = array<i64: 2, 16>, scalar_prefetch = 0 : i64, scratch_operands = 4 : i64, tpu.core_type = #tpu.core_type<sc_vector_subcore>, window_params = [{transform_indices = #map}, {transform_indices = #map1}]} {
    %mul3A = arith.constant 2 : i32
    %mul3A_0 = arith.muli %arg1, %mul3A : i32
    %add3A = arith.addi %mul3A_0, %arg0 : i32
    %broadcast_in_dim3A = arith.constant 1.000000e+00 : f32
    %broadcast_in_dim3A_1 = vector.broadcast %broadcast_in_dim3A : f32 to vector<16xf32>
    %swap3A = arith.constant 0 : index
    %swap3A_2 = tpu.vector_load %arg5[%swap3A] {strides = array<i32>} : memref<128xf32, #tpu.memory_space<vmem>>, vector<16xf32>,
    %swap3A_3 = vector.shape_cast %swap3A_2 : vector<16xf32> to vector<16xf32>
    %swap3A_4 = vector.shape_cast %broadcast_in_dim3A_1 : vector<16xf32> to vector<16xf32>
    tpu.vector_store %arg5[%swap3A], %swap3A_4 {strides = array<i32>} : memref<128xf32, #tpu.memory_space<vmem>>, vector<16xf32>,
    %broadcast_in_dim3A_5 = arith.constant 1.000000e+00 : f32
    %broadcast_in_dim3A_6 = vector.broadcast %broadcast_in_dim3A_5 : f32 to vector<16xf32>
    %swap3A_7 = arith.constant 16 : index
    %swap3A_8 = tpu.vector_load %arg5[%swap3A_7] {strides = array<i32>} : memref<128xf32, #tpu.memory_space<vmem>>, vector<16xf32>,
    %swap3A_9 = vector.shape_cast %swap3A_8 : vector<16xf32> to vector<16xf32>
    %swap3A_10 = vector.shape_cast %broadcast_in_dim3A_6 : vector<16xf32> to vector<16xf32>
    tpu.vector_store %arg5[%swap3A_7], %swap3A_10 {strides = array<i32>} : memref<128xf32, #tpu.memory_space<vmem>>, vector<16xf32>,
    %broadcast_in_dim3A_11 = arith.constant 1.000000e+00 : f32
    %broadcast_in_dim3A_12 = vector.broadcast %broadcast_in_dim3A_11 : f32 to vector<16xf32>
    %swap3A_13 = arith.constant 32 : index
    %swap3A_14 = tpu.vector_load %arg5[%swap3A_13] {strides = array<i32>} : memref<128xf32, #tpu.memory_space<vmem>>, vector<16xf32>,
    %swap3A_15 = vector.shape_cast %swap3A_14 : vector<16xf32> to vector<16xf32>
    %swap3A_16 = vector.shape_cast %broadcast_in_dim3A_12 : vector<16xf32> to vector<16xf32>
    tpu.vector_store %arg5[%swap3A_13], %swap3A_16 {strides = array<i32>} : memref<128xf32, #tpu.memory_space<vmem>>, vector<16xf32>,
    %broadcast_in_dim3A_17 = arith.constant 1.000000e+00 : f32
    %broadcast_in_dim3A_18 = vector.broadcast %broadcast_in_dim3A_17 : f32 to vector<16xf32>
    %swap3A_19 = arith.constant 48 : index
    %swap3A_20 = tpu.vector_load %arg5[%swap3A_19] {strides = array<i32>} : memref<128xf32, #tpu.memory_space<vmem>>, vector<16xf32>,
    %swap3A_21 = vector.shape_cast %swap3A_20 : vector<16xf32> to vector<16xf32>
    %swap3A_22 = vector.shape_cast %broadcast_in_dim3A_18 : vector<16xf32> to vector<16xf32>
    tpu.vector_store %arg5[%swap3A_19], %swap3A_22 {strides = array<i32>} : memref<128xf32, #tpu.memory_space<vmem>>, vector<16xf32>,
    %broadcast_in_dim3A_23 = arith.constant 1.000000e+00 : f32
    %broadcast_in_dim3A_24 = vector.broadcast %broadcast_in_dim3A_23 : f32 to vector<16xf32>
    %swap3A_25 = arith.constant 64 : index
    %swap3A_26 = tpu.vector_load %arg5[%swap3A_25] {strides = array<i32>} : memref<128xf32, #tpu.memory_space<vmem>>, vector<16xf32>,
    %swap3A_27 = vector.shape_cast %swap3A_26 : vector<16xf32> to vector<16xf32>
    %swap3A_28 = vector.shape_cast %broadcast_in_dim3A_24 : vector<16xf32> to vector<16xf32>
    tpu.vector_store %arg5[%swap3A_25], %swap3A_28 {strides = array<i32>} : memref<128xf32, #tpu.memory_space<vmem>>, vector<16xf32>,
    %broadcast_in_dim3A_29 = arith.constant 1.000000e+00 : f32
    %broadcast_in_dim3A_30 = vector.broadcast %broadcast_in_dim3A_29 : f32 to vector<16xf32>
    %swap3A_31 = arith.constant 80 : index
    %swap3A_32 = tpu.vector_load %arg5[%swap3A_31] {strides = array<i32>} : memref<128xf32, #tpu.memory_space<vmem>>, vector<16xf32>,
    %swap3A_33 = vector.shape_cast %swap3A_32 : vector<16xf32> to vector<16xf32>
    %swap3A_34 = vector.shape_cast %broadcast_in_dim3A_30 : vector<16xf32> to vector<16xf32>
    tpu.vector_store %arg5[%swap3A_31], %swap3A_34 {strides = array<i32>} : memref<128xf32, #tpu.memory_space<vmem>>, vector<16xf32>,
    %broadcast_in_dim3A_35 = arith.constant 1.000000e+00 : f32
    %broadcast_in_dim3A_36 = vector.broadcast %broadcast_in_dim3A_35 : f32 to vector<16xf32>
    %swap3A_37 = arith.constant 96 : index
    %swap3A_38 = tpu.vector_load %arg5[%swap3A_37] {strides = array<i32>} : memref<128xf32, #tpu.memory_space<vmem>>, vector<16xf32>,
    %swap3A_39 = vector.shape_cast %swap3A_38 : vector<16xf32> to vector<16xf32>
    %swap3A_40 = vector.shape_cast %broadcast_in_dim3A_36 : vector<16xf32> to vector<16xf32>
    tpu.vector_store %arg5[%swap3A_37], %swap3A_40 {strides = array<i32>} : memref<128xf32, #tpu.memory_space<vmem>>, vector<16xf32>,
    %broadcast_in_dim3A_41 = arith.constant 1.000000e+00 : f32
    %broadcast_in_dim3A_42 = vector.broadcast %broadcast_in_dim3A_41 : f32 to vector<16xf32>
    %swap3A_43 = arith.constant 112 : index
    %swap3A_44 = tpu.vector_load %arg5[%swap3A_43] {strides = array<i32>} : memref<128xf32, #tpu.memory_space<vmem>>, vector<16xf32>,
    %swap3A_45 = vector.shape_cast %swap3A_44 : vector<16xf32> to vector<16xf32>
    %swap3A_46 = vector.shape_cast %broadcast_in_dim3A_42 : vector<16xf32> to vector<16xf32>
    tpu.vector_store %arg5[%swap3A_43], %swap3A_46 {strides = array<i32>} : memref<128xf32, #tpu.memory_space<vmem>>, vector<16xf32>,
    %broadcast_in_dim3A_47 = arith.constant 0.000000e+00 : f32
    %broadcast_in_dim3A_48 = vector.broadcast %broadcast_in_dim3A_47 : f32 to vector<16xf32>
    %swap3A_49 = arith.constant 0 : index
    %swap3A_50 = tpu.vector_load %arg6[%swap3A_49] {strides = array<i32>} : memref<640xf32, #tpu.memory_space<vmem>>, vector<16xf32>,
    %swap3A_51 = vector.shape_cast %swap3A_50 : vector<16xf32> to vector<16xf32>
    %swap3A_52 = vector.shape_cast %broadcast_in_dim3A_48 : vector<16xf32> to vector<16xf32>
    tpu.vector_store %arg6[%swap3A_49], %swap3A_52 {strides = array<i32>} : memref<640xf32, #tpu.memory_space<vmem>>, vector<16xf32>,
    %broadcast_in_dim3A_53 = arith.constant 0.000000e+00 : f32
    %broadcast_in_dim3A_54 = vector.broadcast %broadcast_in_dim3A_53 : f32 to vector<16xf32>
    %swap3A_55 = arith.constant 16 : index
    %swap3A_56 = tpu.vector_load %arg6[%swap3A_55] {strides = array<i32>} : memref<640xf32, #tpu.memory_space<vmem>>, vector<16xf32>,
    %swap3A_57 = vector.shape_cast %swap3A_56 : vector<16xf32> to vector<16xf32>
    %swap3A_58 = vector.shape_cast %broadcast_in_dim3A_54 : vector<16xf32> to vector<16xf32>
    tpu.vector_store %arg6[%swap3A_55], %swap3A_58 {strides = array<i32>} : memref<640xf32, #tpu.memory_space<vmem>>, vector<16xf32>,
    %broadcast_in_dim3A_59 = arith.constant 0.000000e+00 : f32
    %broadcast_in_dim3A_60 = vector.broadcast %broadcast_in_dim3A_59 : f32 to vector<16xf32>
    %swap3A_61 = arith.constant 32 : index
    %swap3A_62 = tpu.vector_load %arg6[%swap3A_61] {strides = array<i32>} : memref<640xf32, #tpu.memory_space<vmem>>, vector<16xf32>,
    %swap3A_63 = vector.shape_cast %swap3A_62 : vector<16xf32> to vector<16xf32>
    %swap3A_64 = vector.shape_cast %broadcast_in_dim3A_60 : vector<16xf32> to vector<16xf32>
    tpu.vector_store %arg6[%swap3A_61], %swap3A_64 {strides = array<i32>} : memref<640xf32, #tpu.memory_space<vmem>>, vector<16xf32>,
    %broadcast_in_dim3A_65 = arith.constant 0.000000e+00 : f32
    %broadcast_in_dim3A_66 = vector.broadcast %broadcast_in_dim3A_65 : f32 to vector<16xf32>
    %swap3A_67 = arith.constant 48 : index
    %swap3A_68 = tpu.vector_load %arg6[%swap3A_67] {strides = array<i32>} : memref<640xf32, #tpu.memory_space<vmem>>, vector<16xf32>,
    %swap3A_69 = vector.shape_cast %swap3A_68 : vector<16xf32> to vector<16xf32>
    %swap3A_70 = vector.shape_cast %broadcast_in_dim3A_66 : vector<16xf32> to vector<16xf32>
    tpu.vector_store %arg6[%swap3A_67], %swap3A_70 {strides = array<i32>} : memref<640xf32, #tpu.memory_space<vmem>>, vector<16xf32>,
    %broadcast_in_dim3A_71 = arith.constant 0.000000e+00 : f32
    %broadcast_in_dim3A_72 = vector.broadcast %broadcast_in_dim3A_71 : f32 to vector<16xf32>
    %swap3A_73 = arith.constant 64 : index
    %swap3A_74 = tpu.vector_load %arg6[%swap3A_73] {strides = array<i32>} : memref<640xf32, #tpu.memory_space<vmem>>, vector<16xf32>,
    %swap3A_75 = vector.shape_cast %swap3A_74 : vector<16xf32> to vector<16xf32>
    %swap3A_76 = vector.shape_cast %broadcast_in_dim3A_72 : vector<16xf32> to vector<16xf32>
    tpu.vector_store %arg6[%swap3A_73], %swap3A_76 {strides = array<i32>} : memref<640xf32, #tpu.memory_space<vmem>>, vector<16xf32>,
    %broadcast_in_dim3A_77 = arith.constant 0.000000e+00 : f32
    %broadcast_in_dim3A_78 = vector.broadcast %broadcast_in_dim3A_77 : f32 to vector<16xf32>
    %swap3A_79 = arith.constant 80 : index
    %swap3A_80 = tpu.vector_load %arg6[%swap3A_79] {strides = array<i32>} : memref<640xf32, #tpu.memory_space<vmem>>, vector<16xf32>,
    %swap3A_81 = vector.shape_cast %swap3A_80 : vector<16xf32> to vector<16xf32>
    %swap3A_82 = vector.shape_cast %broadcast_in_dim3A_78 : vector<16xf32> to vector<16xf32>
    tpu.vector_store %arg6[%swap3A_79], %swap3A_82 {strides = array<i32>} : memref<640xf32, #tpu.memory_space<vmem>>, vector<16xf32>,
    %broadcast_in_dim3A_83 = arith.constant 0.000000e+00 : f32
    %broadcast_in_dim3A_84 = vector.broadcast %broadcast_in_dim3A_83 : f32 to vector<16xf32>
    %swap3A_85 = arith.constant 96 : index
    %swap3A_86 = tpu.vector_load %arg6[%swap3A_85] {strides = array<i32>} : memref<640xf32, #tpu.memory_space<vmem>>, vector<16xf32>,
    %swap3A_87 = vector.shape_cast %swap3A_86 : vector<16xf32> to vector<16xf32>
    %swap3A_88 = vector.shape_cast %broadcast_in_dim3A_84 : vector<16xf32> to vector<16xf32>
    tpu.vector_store %arg6[%swap3A_85], %swap3A_88 {strides = array<i32>} : memref<640xf32, #tpu.memory_space<vmem>>, vector<16xf32>,
    %broadcast_in_dim3A_89 = arith.constant 0.000000e+00 : f32
    %broadcast_in_dim3A_90 = vector.broadcast %broadcast_in_dim3A_89 : f32 to vector<16xf32>
    %swap3A_91 = arith.constant 112 : index
    %swap3A_92 = tpu.vector_load %arg6[%swap3A_91] {strides = array<i32>} : memref<640xf32, #tpu.memory_space<vmem>>, vector<16xf32>,
    %swap3A_93 = vector.shape_cast %swap3A_92 : vector<16xf32> to vector<16xf32>
    %swap3A_94 = vector.shape_cast %broadcast_in_dim3A_90 : vector<16xf32> to vector<16xf32>
    tpu.vector_store %arg6[%swap3A_91], %swap3A_94 {strides = array<i32>} : memref<640xf32, #tpu.memory_space<vmem>>, vector<16xf32>,
    %broadcast_in_dim3A_95 = arith.constant 0.000000e+00 : f32
    %broadcast_in_dim3A_96 = vector.broadcast %broadcast_in_dim3A_95 : f32 to vector<16xf32>
    %swap3A_97 = arith.constant 128 : index
    %swap3A_98 = tpu.vector_load %arg6[%swap3A_97] {strides = array<i32>} : memref<640xf32, #tpu.memory_space<vmem>>, vector<16xf32>,
    %swap3A_99 = vector.shape_cast %swap3A_98 : vector<16xf32> to vector<16xf32>
    %swap3A_100 = vector.shape_cast %broadcast_in_dim3A_96 : vector<16xf32> to vector<16xf32>
    tpu.vector_store %arg6[%swap3A_97], %swap3A_100 {strides = array<i32>} : memref<640xf32, #tpu.memory_space<vmem>>, vector<16xf32>,
    %broadcast_in_dim3A_101 = arith.constant 0.000000e+00 : f32
    %broadcast_in_dim3A_102 = vector.broadcast %broadcast_in_dim3A_101 : f32 to vector<16xf32>
    %swap3A_103 = arith.constant 144 : index
    %swap3A_104 = tpu.vector_load %arg6[%swap3A_103] {strides = array<i32>} : memref<640xf32, #tpu.memory_space<vmem>>, vector<16xf32>,
    %swap3A_105 = vector.shape_cast %swap3A_104 : vector<16xf32> to vector<16xf32>
    %swap3A_106 = vector.shape_cast %broadcast_in_dim3A_102 : vector<16xf32> to vector<16xf32>
    tpu.vector_store %arg6[%swap3A_103], %swap3A_106 {strides = array<i32>} : memref<640xf32, #tpu.memory_space<vmem>>, vector<16xf32>,
    %broadcast_in_dim3A_107 = arith.constant 0.000000e+00 : f32
    %broadcast_in_dim3A_108 = vector.broadcast %broadcast_in_dim3A_107 : f32 to vector<16xf32>
    %swap3A_109 = arith.constant 160 : index
    %swap3A_110 = tpu.vector_load %arg6[%swap3A_109] {strides = array<i32>} : memref<640xf32, #tpu.memory_space<vmem>>, vector<16xf32>,
    %swap3A_111 = vector.shape_cast %swap3A_110 : vector<16xf32> to vector<16xf32>
    %swap3A_112 = vector.shape_cast %broadcast_in_dim3A_108 : vector<16xf32> to vector<16xf32>
    tpu.vector_store %arg6[%swap3A_109], %swap3A_112 {strides = array<i32>} : memref<640xf32, #tpu.memory_space<vmem>>, vector<16xf32>,
    %broadcast_in_dim3A_113 = arith.constant 0.000000e+00 : f32
    %broadcast_in_dim3A_114 = vector.broadcast %broadcast_in_dim3A_113 : f32 to vector<16xf32>
    %swap3A_115 = arith.constant 176 : index
    %swap3A_116 = tpu.vector_load %arg6[%swap3A_115] {strides = array<i32>} : memref<640xf32, #tpu.memory_space<vmem>>, vector<16xf32>,
    %swap3A_117 = vector.shape_cast %swap3A_116 : vector<16xf32> to vector<16xf32>
    %swap3A_118 = vector.shape_cast %broadcast_in_dim3A_114 : vector<16xf32> to vector<16xf32>
    tpu.vector_store %arg6[%swap3A_115], %swap3A_118 {strides = array<i32>} : memref<640xf32, #tpu.memory_space<vmem>>, vector<16xf32>,
    %broadcast_in_dim3A_119 = arith.constant 0.000000e+00 : f32
    %broadcast_in_dim3A_120 = vector.broadcast %broadcast_in_dim3A_119 : f32 to vector<16xf32>
    %swap3A_121 = arith.constant 192 : index
    %swap3A_122 = tpu.vector_load %arg6[%swap3A_121] {strides = array<i32>} : memref<640xf32, #tpu.memory_space<vmem>>, vector<16xf32>,
    %swap3A_123 = vector.shape_cast %swap3A_122 : vector<16xf32> to vector<16xf32>
    %swap3A_124 = vector.shape_cast %broadcast_in_dim3A_120 : vector<16xf32> to vector<16xf32>
    tpu.vector_store %arg6[%swap3A_121], %swap3A_124 {strides = array<i32>} : memref<640xf32, #tpu.memory_space<vmem>>, vector<16xf32>,
    %broadcast_in_dim3A_125 = arith.constant 0.000000e+00 : f32
    %broadcast_in_dim3A_126 = vector.broadcast %broadcast_in_dim3A_125 : f32 to vector<16xf32>
    %swap3A_127 = arith.constant 208 : index
    %swap3A_128 = tpu.vector_load %arg6[%swap3A_127] {strides = array<i32>} : memref<640xf32, #tpu.memory_space<vmem>>, vector<16xf32>,
    %swap3A_129 = vector.shape_cast %swap3A_128 : vector<16xf32> to vector<16xf32>
    %swap3A_130 = vector.shape_cast %broadcast_in_dim3A_126 : vector<16xf32> to vector<16xf32>
    tpu.vector_store %arg6[%swap3A_127], %swap3A_130 {strides = array<i32>} : memref<640xf32, #tpu.memory_space<vmem>>, vector<16xf32>,
    %broadcast_in_dim3A_131 = arith.constant 0.000000e+00 : f32
    %broadcast_in_dim3A_132 = vector.broadcast %broadcast_in_dim3A_131 : f32 to vector<16xf32>
    %swap3A_133 = arith.constant 224 : index
    %swap3A_134 = tpu.vector_load %arg6[%swap3A_133] {strides = array<i32>} : memref<640xf32, #tpu.memory_space<vmem>>, vector<16xf32>,
    %swap3A_135 = vector.shape_cast %swap3A_134 : vector<16xf32> to vector<16xf32>
    %swap3A_136 = vector.shape_cast %broadcast_in_dim3A_132 : vector<16xf32> to vector<16xf32>
    tpu.vector_store %arg6[%swap3A_133], %swap3A_136 {strides = array<i32>} : memref<640xf32, #tpu.memory_space<vmem>>, vector<16xf32>,
    %broadcast_in_dim3A_137 = arith.constant 0.000000e+00 : f32
    %broadcast_in_dim3A_138 = vector.broadcast %broadcast_in_dim3A_137 : f32 to vector<16xf32>
    %swap3A_139 = arith.constant 240 : index
    %swap3A_140 = tpu.vector_load %arg6[%swap3A_139] {strides = array<i32>} : memref<640xf32, #tpu.memory_space<vmem>>, vector<16xf32>,
    %swap3A_141 = vector.shape_cast %swap3A_140 : vector<16xf32> to vector<16xf32>
    %swap3A_142 = vector.shape_cast %broadcast_in_dim3A_138 : vector<16xf32> to vector<16xf32>
    tpu.vector_store %arg6[%swap3A_139], %swap3A_142 {strides = array<i32>} : memref<640xf32, #tpu.memory_space<vmem>>, vector<16xf32>,
    %broadcast_in_dim3A_143 = arith.constant 0.000000e+00 : f32
    %broadcast_in_dim3A_144 = vector.broadcast %broadcast_in_dim3A_143 : f32 to vector<16xf32>
    %swap3A_145 = arith.constant 256 : index
    %swap3A_146 = tpu.vector_load %arg6[%swap3A_145] {strides = array<i32>} : memref<640xf32, #tpu.memory_space<vmem>>, vector<16xf32>,
    %swap3A_147 = vector.shape_cast %swap3A_146 : vector<16xf32> to vector<16xf32>
    %swap3A_148 = vector.shape_cast %broadcast_in_dim3A_144 : vector<16xf32> to vector<16xf32>
    tpu.vector_store %arg6[%swap3A_145], %swap3A_148 {strides = array<i32>} : memref<640xf32, #tpu.memory_space<vmem>>, vector<16xf32>,
    %broadcast_in_dim3A_149 = arith.constant 0.000000e+00 : f32
    %broadcast_in_dim3A_150 = vector.broadcast %broadcast_in_dim3A_149 : f32 to vector<16xf32>
    %swap3A_151 = arith.constant 272 : index
    %swap3A_152 = tpu.vector_load %arg6[%swap3A_151] {strides = array<i32>} : memref<640xf32, #tpu.memory_space<vmem>>, vector<16xf32>,
    %swap3A_153 = vector.shape_cast %swap3A_152 : vector<16xf32> to vector<16xf32>
    %swap3A_154 = vector.shape_cast %broadcast_in_dim3A_150 : vector<16xf32> to vector<16xf32>
    tpu.vector_store %arg6[%swap3A_151], %swap3A_154 {strides = array<i32>} : memref<640xf32, #tpu.memory_space<vmem>>, vector<16xf32>,
    %broadcast_in_dim3A_155 = arith.constant 0.000000e+00 : f32
    %broadcast_in_dim3A_156 = vector.broadcast %broadcast_in_dim3A_155 : f32 to vector<16xf32>
    %swap3A_157 = arith.constant 288 : index
    %swap3A_158 = tpu.vector_load %arg6[%swap3A_157] {strides = array<i32>} : memref<640xf32, #tpu.memory_space<vmem>>, vector<16xf32>,
    %swap3A_159 = vector.shape_cast %swap3A_158 : vector<16xf32> to vector<16xf32>
    %swap3A_160 = vector.shape_cast %broadcast_in_dim3A_156 : vector<16xf32> to vector<16xf32>
    tpu.vector_store %arg6[%swap3A_157], %swap3A_160 {strides = array<i32>} : memref<640xf32, #tpu.memory_space<vmem>>, vector<16xf32>,
    %broadcast_in_dim3A_161 = arith.constant 0.000000e+00 : f32
    %broadcast_in_dim3A_162 = vector.broadcast %broadcast_in_dim3A_161 : f32 to vector<16xf32>
    %swap3A_163 = arith.constant 304 : index
    %swap3A_164 = tpu.vector_load %arg6[%swap3A_163] {strides = array<i32>} : memref<640xf32, #tpu.memory_space<vmem>>, vector<16xf32>,
    %swap3A_165 = vector.shape_cast %swap3A_164 : vector<16xf32> to vector<16xf32>
    %swap3A_166 = vector.shape_cast %broadcast_in_dim3A_162 : vector<16xf32> to vector<16xf32>
    tpu.vector_store %arg6[%swap3A_163], %swap3A_166 {strides = array<i32>} : memref<640xf32, #tpu.memory_space<vmem>>, vector<16xf32>,
    %broadcast_in_dim3A_167 = arith.constant 0.000000e+00 : f32
    %broadcast_in_dim3A_168 = vector.broadcast %broadcast_in_dim3A_167 : f32 to vector<16xf32>
    %swap3A_169 = arith.constant 320 : index
    %swap3A_170 = tpu.vector_load %arg6[%swap3A_169] {strides = array<i32>} : memref<640xf32, #tpu.memory_space<vmem>>, vector<16xf32>,
    %swap3A_171 = vector.shape_cast %swap3A_170 : vector<16xf32> to vector<16xf32>
    %swap3A_172 = vector.shape_cast %broadcast_in_dim3A_168 : vector<16xf32> to vector<16xf32>
    tpu.vector_store %arg6[%swap3A_169], %swap3A_172 {strides = array<i32>} : memref<640xf32, #tpu.memory_space<vmem>>, vector<16xf32>,
    %broadcast_in_dim3A_173 = arith.constant 0.000000e+00 : f32
    %broadcast_in_dim3A_174 = vector.broadcast %broadcast_in_dim3A_173 : f32 to vector<16xf32>
    %swap3A_175 = arith.constant 336 : index
    %swap3A_176 = tpu.vector_load %arg6[%swap3A_175] {strides = array<i32>} : memref<640xf32, #tpu.memory_space<vmem>>, vector<16xf32>,
    %swap3A_177 = vector.shape_cast %swap3A_176 : vector<16xf32> to vector<16xf32>
    %swap3A_178 = vector.shape_cast %broadcast_in_dim3A_174 : vector<16xf32> to vector<16xf32>
    tpu.vector_store %arg6[%swap3A_175], %swap3A_178 {strides = array<i32>} : memref<640xf32, #tpu.memory_space<vmem>>, vector<16xf32>,
    %broadcast_in_dim3A_179 = arith.constant 0.000000e+00 : f32
    %broadcast_in_dim3A_180 = vector.broadcast %broadcast_in_dim3A_179 : f32 to vector<16xf32>
    %swap3A_181 = arith.constant 352 : index
    %swap3A_182 = tpu.vector_load %arg6[%swap3A_181] {strides = array<i32>} : memref<640xf32, #tpu.memory_space<vmem>>, vector<16xf32>,
    %swap3A_183 = vector.shape_cast %swap3A_182 : vector<16xf32> to vector<16xf32>
    %swap3A_184 = vector.shape_cast %broadcast_in_dim3A_180 : vector<16xf32> to vector<16xf32>
    tpu.vector_store %arg6[%swap3A_181], %swap3A_184 {strides = array<i32>} : memref<640xf32, #tpu.memory_space<vmem>>, vector<16xf32>,
    %broadcast_in_dim3A_185 = arith.constant 0.000000e+00 : f32
    %broadcast_in_dim3A_186 = vector.broadcast %broadcast_in_dim3A_185 : f32 to vector<16xf32>
    %swap3A_187 = arith.constant 368 : index
    %swap3A_188 = tpu.vector_load %arg6[%swap3A_187] {strides = array<i32>} : memref<640xf32, #tpu.memory_space<vmem>>, vector<16xf32>,
    %swap3A_189 = vector.shape_cast %swap3A_188 : vector<16xf32> to vector<16xf32>
    %swap3A_190 = vector.shape_cast %broadcast_in_dim3A_186 : vector<16xf32> to vector<16xf32>
    tpu.vector_store %arg6[%swap3A_187], %swap3A_190 {strides = array<i32>} : memref<640xf32, #tpu.memory_space<vmem>>, vector<16xf32>,
    %broadcast_in_dim3A_191 = arith.constant 0.000000e+00 : f32
    %broadcast_in_dim3A_192 = vector.broadcast %broadcast_in_dim3A_191 : f32 to vector<16xf32>
    %swap3A_193 = arith.constant 384 : index
    %swap3A_194 = tpu.vector_load %arg6[%swap3A_193] {strides = array<i32>} : memref<640xf32, #tpu.memory_space<vmem>>, vector<16xf32>,
    %swap3A_195 = vector.shape_cast %swap3A_194 : vector<16xf32> to vector<16xf32>
    %swap3A_196 = vector.shape_cast %broadcast_in_dim3A_192 : vector<16xf32> to vector<16xf32>
    tpu.vector_store %arg6[%swap3A_193], %swap3A_196 {strides = array<i32>} : memref<640xf32, #tpu.memory_space<vmem>>, vector<16xf32>,
    %broadcast_in_dim3A_197 = arith.constant 0.000000e+00 : f32
    %broadcast_in_dim3A_198 = vector.broadcast %broadcast_in_dim3A_197 : f32 to vector<16xf32>
    %swap3A_199 = arith.constant 400 : index
    %swap3A_200 = tpu.vector_load %arg6[%swap3A_199] {strides = array<i32>} : memref<640xf32, #tpu.memory_space<vmem>>, vector<16xf32>,
    %swap3A_201 = vector.shape_cast %swap3A_200 : vector<16xf32> to vector<16xf32>
    %swap3A_202 = vector.shape_cast %broadcast_in_dim3A_198 : vector<16xf32> to vector<16xf32>
    tpu.vector_store %arg6[%swap3A_199], %swap3A_202 {strides = array<i32>} : memref<640xf32, #tpu.memory_space<vmem>>, vector<16xf32>,
    %broadcast_in_dim3A_203 = arith.constant 0.000000e+00 : f32
    %broadcast_in_dim3A_204 = vector.broadcast %broadcast_in_dim3A_203 : f32 to vector<16xf32>
    %swap3A_205 = arith.constant 416 : index
    %swap3A_206 = tpu.vector_load %arg6[%swap3A_205] {strides = array<i32>} : memref<640xf32, #tpu.memory_space<vmem>>, vector<16xf32>,
    %swap3A_207 = vector.shape_cast %swap3A_206 : vector<16xf32> to vector<16xf32>
    %swap3A_208 = vector.shape_cast %broadcast_in_dim3A_204 : vector<16xf32> to vector<16xf32>
    tpu.vector_store %arg6[%swap3A_205], %swap3A_208 {strides = array<i32>} : memref<640xf32, #tpu.memory_space<vmem>>, vector<16xf32>,
    %broadcast_in_dim3A_209 = arith.constant 0.000000e+00 : f32
    %broadcast_in_dim3A_210 = vector.broadcast %broadcast_in_dim3A_209 : f32 to vector<16xf32>
    %swap3A_211 = arith.constant 432 : index
    %swap3A_212 = tpu.vector_load %arg6[%swap3A_211] {strides = array<i32>} : memref<640xf32, #tpu.memory_space<vmem>>, vector<16xf32>,
    %swap3A_213 = vector.shape_cast %swap3A_212 : vector<16xf32> to vector<16xf32>
    %swap3A_214 = vector.shape_cast %broadcast_in_dim3A_210 : vector<16xf32> to vector<16xf32>
    tpu.vector_store %arg6[%swap3A_211], %swap3A_214 {strides = array<i32>} : memref<640xf32, #tpu.memory_space<vmem>>, vector<16xf32>,
    %broadcast_in_dim3A_215 = arith.constant 0.000000e+00 : f32
    %broadcast_in_dim3A_216 = vector.broadcast %broadcast_in_dim3A_215 : f32 to vector<16xf32>
    %swap3A_217 = arith.constant 448 : index
    %swap3A_218 = tpu.vector_load %arg6[%swap3A_217] {strides = array<i32>} : memref<640xf32, #tpu.memory_space<vmem>>, vector<16xf32>,
    %swap3A_219 = vector.shape_cast %swap3A_218 : vector<16xf32> to vector<16xf32>
    %swap3A_220 = vector.shape_cast %broadcast_in_dim3A_216 : vector<16xf32> to vector<16xf32>
    tpu.vector_store %arg6[%swap3A_217], %swap3A_220 {strides = array<i32>} : memref<640xf32, #tpu.memory_space<vmem>>, vector<16xf32>,
    %broadcast_in_dim3A_221 = arith.constant 0.000000e+00 : f32
    %broadcast_in_dim3A_222 = vector.broadcast %broadcast_in_dim3A_221 : f32 to vector<16xf32>
    %swap3A_223 = arith.constant 464 : index
    %swap3A_224 = tpu.vector_load %arg6[%swap3A_223] {strides = array<i32>} : memref<640xf32, #tpu.memory_space<vmem>>, vector<16xf32>,
    %swap3A_225 = vector.shape_cast %swap3A_224 : vector<16xf32> to vector<16xf32>
    %swap3A_226 = vector.shape_cast %broadcast_in_dim3A_222 : vector<16xf32> to vector<16xf32>
    tpu.vector_store %arg6[%swap3A_223], %swap3A_226 {strides = array<i32>} : memref<640xf32, #tpu.memory_space<vmem>>, vector<16xf32>,
    %broadcast_in_dim3A_227 = arith.constant 0.000000e+00 : f32
    %broadcast_in_dim3A_228 = vector.broadcast %broadcast_in_dim3A_227 : f32 to vector<16xf32>
    %swap3A_229 = arith.constant 480 : index
    %swap3A_230 = tpu.vector_load %arg6[%swap3A_229] {strides = array<i32>} : memref<640xf32, #tpu.memory_space<vmem>>, vector<16xf32>,
    %swap3A_231 = vector.shape_cast %swap3A_230 : vector<16xf32> to vector<16xf32>
    %swap3A_232 = vector.shape_cast %broadcast_in_dim3A_228 : vector<16xf32> to vector<16xf32>
    tpu.vector_store %arg6[%swap3A_229], %swap3A_232 {strides = array<i32>} : memref<640xf32, #tpu.memory_space<vmem>>, vector<16xf32>,
    %broadcast_in_dim3A_233 = arith.constant 0.000000e+00 : f32
    %broadcast_in_dim3A_234 = vector.broadcast %broadcast_in_dim3A_233 : f32 to vector<16xf32>
    %swap3A_235 = arith.constant 496 : index
    %swap3A_236 = tpu.vector_load %arg6[%swap3A_235] {strides = array<i32>} : memref<640xf32, #tpu.memory_space<vmem>>, vector<16xf32>,
    %swap3A_237 = vector.shape_cast %swap3A_236 : vector<16xf32> to vector<16xf32>
    %swap3A_238 = vector.shape_cast %broadcast_in_dim3A_234 : vector<16xf32> to vector<16xf32>
    tpu.vector_store %arg6[%swap3A_235], %swap3A_238 {strides = array<i32>} : memref<640xf32, #tpu.memory_space<vmem>>, vector<16xf32>,
    %broadcast_in_dim3A_239 = arith.constant 0.000000e+00 : f32
    %broadcast_in_dim3A_240 = vector.broadcast %broadcast_in_dim3A_239 : f32 to vector<16xf32>
    %swap3A_241 = arith.constant 512 : index
    %swap3A_242 = tpu.vector_load %arg6[%swap3A_241] {strides = array<i32>} : memref<640xf32, #tpu.memory_space<vmem>>, vector<16xf32>,
    %swap3A_243 = vector.shape_cast %swap3A_242 : vector<16xf32> to vector<16xf32>
    %swap3A_244 = vector.shape_cast %broadcast_in_dim3A_240 : vector<16xf32> to vector<16xf32>
    tpu.vector_store %arg6[%swap3A_241], %swap3A_244 {strides = array<i32>} : memref<640xf32, #tpu.memory_space<vmem>>, vector<16xf32>,
    %broadcast_in_dim3A_245 = arith.constant 0.000000e+00 : f32
    %broadcast_in_dim3A_246 = vector.broadcast %broadcast_in_dim3A_245 : f32 to vector<16xf32>
    %swap3A_247 = arith.constant 528 : index
    %swap3A_248 = tpu.vector_load %arg6[%swap3A_247] {strides = array<i32>} : memref<640xf32, #tpu.memory_space<vmem>>, vector<16xf32>,
    %swap3A_249 = vector.shape_cast %swap3A_248 : vector<16xf32> to vector<16xf32>
    %swap3A_250 = vector.shape_cast %broadcast_in_dim3A_246 : vector<16xf32> to vector<16xf32>
    tpu.vector_store %arg6[%swap3A_247], %swap3A_250 {strides = array<i32>} : memref<640xf32, #tpu.memory_space<vmem>>, vector<16xf32>,
    %broadcast_in_dim3A_251 = arith.constant 0.000000e+00 : f32
    %broadcast_in_dim3A_252 = vector.broadcast %broadcast_in_dim3A_251 : f32 to vector<16xf32>
    %swap3A_253 = arith.constant 544 : index
    %swap3A_254 = tpu.vector_load %arg6[%swap3A_253] {strides = array<i32>} : memref<640xf32, #tpu.memory_space<vmem>>, vector<16xf32>,
    %swap3A_255 = vector.shape_cast %swap3A_254 : vector<16xf32> to vector<16xf32>
    %swap3A_256 = vector.shape_cast %broadcast_in_dim3A_252 : vector<16xf32> to vector<16xf32>
    tpu.vector_store %arg6[%swap3A_253], %swap3A_256 {strides = array<i32>} : memref<640xf32, #tpu.memory_space<vmem>>, vector<16xf32>,
    %broadcast_in_dim3A_257 = arith.constant 0.000000e+00 : f32
    %broadcast_in_dim3A_258 = vector.broadcast %broadcast_in_dim3A_257 : f32 to vector<16xf32>
    %swap3A_259 = arith.constant 560 : index
    %swap3A_260 = tpu.vector_load %arg6[%swap3A_259] {strides = array<i32>} : memref<640xf32, #tpu.memory_space<vmem>>, vector<16xf32>,
    %swap3A_261 = vector.shape_cast %swap3A_260 : vector<16xf32> to vector<16xf32>
    %swap3A_262 = vector.shape_cast %broadcast_in_dim3A_258 : vector<16xf32> to vector<16xf32>
    tpu.vector_store %arg6[%swap3A_259], %swap3A_262 {strides = array<i32>} : memref<640xf32, #tpu.memory_space<vmem>>, vector<16xf32>,
    %broadcast_in_dim3A_263 = arith.constant 0.000000e+00 : f32
    %broadcast_in_dim3A_264 = vector.broadcast %broadcast_in_dim3A_263 : f32 to vector<16xf32>
    %swap3A_265 = arith.constant 576 : index
    %swap3A_266 = tpu.vector_load %arg6[%swap3A_265] {strides = array<i32>} : memref<640xf32, #tpu.memory_space<vmem>>, vector<16xf32>,
    %swap3A_267 = vector.shape_cast %swap3A_266 : vector<16xf32> to vector<16xf32>
    %swap3A_268 = vector.shape_cast %broadcast_in_dim3A_264 : vector<16xf32> to vector<16xf32>
    tpu.vector_store %arg6[%swap3A_265], %swap3A_268 {strides = array<i32>} : memref<640xf32, #tpu.memory_space<vmem>>, vector<16xf32>,
    %broadcast_in_dim3A_269 = arith.constant 0.000000e+00 : f32
    %broadcast_in_dim3A_270 = vector.broadcast %broadcast_in_dim3A_269 : f32 to vector<16xf32>
    %swap3A_271 = arith.constant 592 : index
    %swap3A_272 = tpu.vector_load %arg6[%swap3A_271] {strides = array<i32>} : memref<640xf32, #tpu.memory_space<vmem>>, vector<16xf32>,
    %swap3A_273 = vector.shape_cast %swap3A_272 : vector<16xf32> to vector<16xf32>
    %swap3A_274 = vector.shape_cast %broadcast_in_dim3A_270 : vector<16xf32> to vector<16xf32>
    tpu.vector_store %arg6[%swap3A_271], %swap3A_274 {strides = array<i32>} : memref<640xf32, #tpu.memory_space<vmem>>, vector<16xf32>,
    %broadcast_in_dim3A_275 = arith.constant 0.000000e+00 : f32
    %broadcast_in_dim3A_276 = vector.broadcast %broadcast_in_dim3A_275 : f32 to vector<16xf32>
    %swap3A_277 = arith.constant 608 : index
    %swap3A_278 = tpu.vector_load %arg6[%swap3A_277] {strides = array<i32>} : memref<640xf32, #tpu.memory_space<vmem>>, vector<16xf32>,
    %swap3A_279 = vector.shape_cast %swap3A_278 : vector<16xf32> to vector<16xf32>
    %swap3A_280 = vector.shape_cast %broadcast_in_dim3A_276 : vector<16xf32> to vector<16xf32>
    tpu.vector_store %arg6[%swap3A_277], %swap3A_280 {strides = array<i32>} : memref<640xf32, #tpu.memory_space<vmem>>, vector<16xf32>,
    %broadcast_in_dim3A_281 = arith.constant 0.000000e+00 : f32
    %broadcast_in_dim3A_282 = vector.broadcast %broadcast_in_dim3A_281 : f32 to vector<16xf32>
    %swap3A_283 = arith.constant 624 : index
    %swap3A_284 = tpu.vector_load %arg6[%swap3A_283] {strides = array<i32>} : memref<640xf32, #tpu.memory_space<vmem>>, vector<16xf32>,
    %swap3A_285 = vector.shape_cast %swap3A_284 : vector<16xf32> to vector<16xf32>
    %swap3A_286 = vector.shape_cast %broadcast_in_dim3A_282 : vector<16xf32> to vector<16xf32>
    tpu.vector_store %arg6[%swap3A_283], %swap3A_286 {strides = array<i32>} : memref<640xf32, #tpu.memory_space<vmem>>, vector<16xf32>,
    %mul3A_287 = arith.constant 640 : i32
    %mul3A_288 = arith.muli %arg1, %mul3A_287 : i32
    "tpu.region"() ({
      %run_scoped3A_300 = tpu.sem_alloc : memref<!tpu.dma_semaphore, #tpu.memory_space<semaphore_mem>>
      %dma_start3A = tpu.memref_slice %arg7[%mul3A_288] : memref<10240xf32, #tpu.memory_space<vmem_shared>> -> memref<640xf32, #tpu.memory_space<vmem_shared>>
      %dma_start3A_301 = tpu.memref_slice %arg7[%mul3A_288] : memref<10240xf32, #tpu.memory_space<vmem_shared>> -> memref<640xf32, #tpu.memory_space<vmem_shared>>
      tpu.enqueue_dma source(%arg6 : memref<640xf32, #tpu.memory_space<vmem>>) target(%dma_start3A_301 : memref<640xf32, #tpu.memory_space<vmem_shared>>) target_semaphore(%run_scoped3A_300 : memref<!tpu.dma_semaphore, #tpu.memory_space<semaphore_mem>>)
      %dma_wait3A = tpu.memref_slice %arg7[%mul3A_288] : memref<10240xf32, #tpu.memory_space<vmem_shared>> -> memref<640xf32, #tpu.memory_space<vmem_shared>>
      %dma_wait3A_302 = tpu.memref_slice %arg7[%mul3A_288] : memref<10240xf32, #tpu.memory_space<vmem_shared>> -> memref<640xf32, #tpu.memory_space<vmem_shared>>
      tpu.wait_dma2 semaphore(%run_scoped3A_300 : memref<!tpu.dma_semaphore, #tpu.memory_space<semaphore_mem>>) src(%arg6 : memref<640xf32, #tpu.memory_space<vmem>>) dst(%dma_wait3A_302 : memref<640xf32, #tpu.memory_space<vmem_shared>>)
      tpu.yield
    }) : () -> ()
    %barrier3A = arith.constant 0 : index
    tpu.barrier barrier_id(%barrier3A)
    %mul3A_289 = arith.constant 80 : i32
    %mul3A_290 = arith.muli %add3A, %mul3A_289 : i32
    %run_scoped3A = arith.constant 1 : i32
    "tpu.region"() ({
      %run_scoped3A_300 = tpu.sem_alloc : memref<!tpu.dma_semaphore, #tpu.memory_space<semaphore_mem>>
      %dma_start3A = arith.constant 0 : i32
      %dma_start3A_301 = tpu.memref_slice %arg2[%run_scoped3A, %mul3A_290, %dma_start3A] : memref<2x2560x128xi32, #tpu.memory_space<hbm>> -> memref<1x80x128xi32, #tpu.memory_space<hbm>>
      %dma_start3A_302 = tpu.memref_squeeze %dma_start3A_301 : memref<1x80x128xi32, #tpu.memory_space<hbm>> -> memref<80x128xi32, #tpu.memory_space<hbm>>
      %dma_start3A_303 = arith.constant 0 : i32
      %dma_start3A_304 = tpu.memref_slice %arg2[%run_scoped3A, %mul3A_290, %dma_start3A_303] : memref<2x2560x128xi32, #tpu.memory_space<hbm>> -> memref<1x80x128xi32, #tpu.memory_space<hbm>>
      %dma_start3A_305 = tpu.memref_squeeze %dma_start3A_304 : memref<1x80x128xi32, #tpu.memory_space<hbm>> -> memref<80x128xi32, #tpu.memory_space<hbm>>
      tpu.enqueue_dma source(%dma_start3A_305 : memref<80x128xi32, #tpu.memory_space<hbm>>) target(%arg4 : memref<80x128xi32, #tpu.memory_space<vmem>>) target_semaphore(%run_scoped3A_300 : memref<!tpu.dma_semaphore, #tpu.memory_space<semaphore_mem>>)
      %dma_wait3A = arith.constant 0 : i32
      %dma_wait3A_306 = tpu.memref_slice %arg2[%run_scoped3A, %mul3A_290, %dma_wait3A] : memref<2x2560x128xi32, #tpu.memory_space<hbm>> -> memref<1x80x128xi32, #tpu.memory_space<hbm>>
      %dma_wait3A_307 = tpu.memref_squeeze %dma_wait3A_306 : memref<1x80x128xi32, #tpu.memory_space<hbm>> -> memref<80x128xi32, #tpu.memory_space<hbm>>
      %dma_wait3A_308 = arith.constant 0 : i32
      %dma_wait3A_309 = tpu.memref_slice %arg2[%run_scoped3A, %mul3A_290, %dma_wait3A_308] : memref<2x2560x128xi32, #tpu.memory_space<hbm>> -> memref<1x80x128xi32, #tpu.memory_space<hbm>>
      %dma_wait3A_310 = tpu.memref_squeeze %dma_wait3A_309 : memref<1x80x128xi32, #tpu.memory_space<hbm>> -> memref<80x128xi32, #tpu.memory_space<hbm>>
      tpu.wait_dma2 semaphore(%run_scoped3A_300 : memref<!tpu.dma_semaphore, #tpu.memory_space<semaphore_mem>>) src(%dma_wait3A_310 : memref<80x128xi32, #tpu.memory_space<hbm>>) dst(%arg4 : memref<80x128xi32, #tpu.memory_space<vmem>>)
      tpu.yield
    }) : () -> ()
    %scan3A = arith.constant 0 : i32
    %scan3A_291 = arith.constant 80 : i32
    %scan3A_292 = arith.addi %scan3A, %scan3A_291 : i32
    %scan3A_293 = arith.constant 1 : i32
    scf.for %scan3A_300 = %scan3A to %scan3A_292 step %scan3A_293  : i32 {
      %mul3A_301 = arith.constant 1 : i32
      %mul3A_302 = arith.muli %scan3A_300, %mul3A_301 : i32
      %add3A_303 = arith.constant 0 : i32
      %add3A_304 = arith.addi %add3A_303, %mul3A_302 : i32
      "tpu.region"() ({
        %run_scoped3A_305 = tpu.sem_alloc : memref<!tpu.dma_semaphore, #tpu.memory_space<semaphore_mem>>
        %dma_start3A = arith.constant 0 : i32
        %dma_start3A_306 = tpu.memref_slice %arg4[%add3A_304, %dma_start3A] : memref<80x128xi32, #tpu.memory_space<vmem>> -> memref<1x128xi32, #tpu.memory_space<vmem>>
        %dma_start3A_307 = tpu.memref_squeeze %dma_start3A_306 : memref<1x128xi32, #tpu.memory_space<vmem>> -> memref<128xi32, #tpu.memory_space<vmem>>
        %dma_start3A_308 = arith.constant 0 : i32
        %dma_start3A_309 = tpu.memref_slice %arg7[%dma_start3A_308] : memref<10240xf32, #tpu.memory_space<vmem_shared>> -> memref<10240xf32, #tpu.memory_space<vmem_shared>>
        tpu.enqueue_indirect_dma source(%arg5 : memref<128xf32, #tpu.memory_space<vmem>>) target(%dma_start3A_309 : memref<10240xf32, #tpu.memory_space<vmem_shared>>) offsets(%dma_start3A_307 : memref<128xi32, #tpu.memory_space<vmem>>) semaphore(%run_scoped3A_305 : memref<!tpu.dma_semaphore, #tpu.memory_space<semaphore_mem>>) {add = true}
        %dma_wait3A = arith.constant 0 : i32
        %dma_wait3A_310 = tpu.memref_slice %arg4[%add3A_304, %dma_wait3A] : memref<80x128xi32, #tpu.memory_space<vmem>> -> memref<1x128xi32, #tpu.memory_space<vmem>>
        %dma_wait3A_311 = tpu.memref_squeeze %dma_wait3A_310 : memref<1x128xi32, #tpu.memory_space<vmem>> -> memref<128xi32, #tpu.memory_space<vmem>>
        %dma_wait3A_312 = arith.constant 0 : i32
        %dma_wait3A_313 = tpu.memref_slice %arg7[%dma_wait3A_312] : memref<10240xf32, #tpu.memory_space<vmem_shared>> -> memref<10240xf32, #tpu.memory_space<vmem_shared>>
        tpu.wait_indirect_dma semaphore(%run_scoped3A_305 : memref<!tpu.dma_semaphore, #tpu.memory_space<semaphore_mem>>) src(%arg5 : memref<128xf32, #tpu.memory_space<vmem>>) dst(%dma_wait3A_313 : memref<10240xf32, #tpu.memory_space<vmem_shared>>)
        tpu.yield
      }) : () -> ()
    }
    %scan3A_294 = arith.constant 80 : i32
    %barrier3A_295 = arith.constant 0 : index
    tpu.barrier barrier_id(%barrier3A_295)
    %mul3A_296 = arith.constant 640 : i32
    %mul3A_297 = arith.muli %arg1, %mul3A_296 : i32
    %mul3A_298 = arith.constant 640 : i32
    %mul3A_299 = arith.muli %arg1, %mul3A_298 : i32
    "tpu.region"() ({
      %run_scoped3A_300 = tpu.sem_alloc : memref<!tpu.dma_semaphore, #tpu.memory_space<semaphore_mem>>
      %dma_start3A = tpu.memref_slice %arg3[%arg0, %mul3A_299] : memref<2x10240xf32, #tpu.memory_space<hbm>> -> memref<1x640xf32, #tpu.memory_space<hbm>>
      %dma_start3A_301 = tpu.memref_squeeze %dma_start3A : memref<1x640xf32, #tpu.memory_space<hbm>> -> memref<640xf32, #tpu.memory_space<hbm>>
      %dma_start3A_302 = tpu.memref_slice %arg7[%mul3A_297] : memref<10240xf32, #tpu.memory_space<vmem_shared>> -> memref<640xf32, #tpu.memory_space<vmem_shared>>
      tpu.enqueue_dma source(%dma_start3A_302 : memref<640xf32, #tpu.memory_space<vmem_shared>>) target(%dma_start3A_301 : memref<640xf32, #tpu.memory_space<hbm>>) target_semaphore(%run_scoped3A_300 : memref<!tpu.dma_semaphore, #tpu.memory_space<semaphore_mem>>)
      %dma_wait3A = tpu.memref_slice %arg3[%arg0, %mul3A_299] : memref<2x10240xf32, #tpu.memory_space<hbm>> -> memref<1x640xf32, #tpu.memory_space<hbm>>
      %dma_wait3A_303 = tpu.memref_squeeze %dma_wait3A : memref<1x640xf32, #tpu.memory_space<hbm>> -> memref<640xf32, #tpu.memory_space<hbm>>
      %dma_wait3A_304 = tpu.memref_slice %arg7[%mul3A_297] : memref<10240xf32, #tpu.memory_space<vmem_shared>> -> memref<640xf32, #tpu.memory_space<vmem_shared>>
      tpu.wait_dma2 semaphore(%run_scoped3A_300 : memref<!tpu.dma_semaphore, #tpu.memory_space<semaphore_mem>>) src(%dma_wait3A_304 : memref<640xf32, #tpu.memory_space<vmem_shared>>) dst(%dma_wait3A_303 : memref<640xf32, #tpu.memory_space<hbm>>)
      tpu.yield
    }) : () -> ()
    return
  }
}

module attributes {stable_mosaic.version = 14 : i64} {
  func.func @_matmul_body(%arg0: i32, %arg1: memref<2048x128xf32, #tpu.memory_space<vmem>>, %arg2: memref<128x128xf32, #tpu.memory_space<vmem>>, %arg3: memref<2048x128xf32, #tpu.memory_space<vmem>>) attributes {dimension_semantics = [#tpu.dimension_semantics<arbitrary>], iteration_bounds = array<i64: 5>, scalar_prefetch = 0 : i64, scratch_operands = 0 : i64, tpu.core_type = #tpu.core_type<tc>, window_params = [{transform_indices = @transform_0, window_bounds = array<i64: 2048, 128>}, {pipeline_mode = #tpu.pipeline_mode<synchronous>, transform_indices = @transform_1, window_bounds = array<i64: 128, 128>}, {transform_indices = @transform_2, window_bounds = array<i64: 2048, 128>}]} {
    %get3A = arith.constant 0 : index
    %get3A_0 = arith.constant 0 : index
    %get3A_1 = vector.load %arg1[%get3A, %get3A_0] : memref<2048x128xf32, #tpu.memory_space<vmem>>, vector<2048x128xf32>
    %get3A_2 = arith.constant 0 : index
    %get3A_3 = arith.constant 0 : index
    %get3A_4 = vector.load %arg2[%get3A_2, %get3A_3] : memref<128x128xf32, #tpu.memory_space<vmem>>, vector<128x128xf32>
    %dot_general3A = arith.constant dense<0.000000e+00> : vector<2048x128xf32>
    %dot_general3A_5 = tpu.matmul %get3A_1, %get3A_4, %dot_general3A {dimension_numbers = #tpu.dot_dimension_numbers<[1], [0], [0], [1], [0, 0, 1, 1], [], []>, transpose_lhs_hint = false} : vector<2048x128xf32>, vector<128x128xf32>, vector<2048x128xf32> -> vector<2048x128xf32>
    %swap3A = arith.constant 0 : index
    %swap3A_6 = arith.constant 0 : index
    %swap3A_7 = vector.load %arg3[%swap3A, %swap3A_6] : memref<2048x128xf32, #tpu.memory_space<vmem>>, vector<2048x128xf32>
    tpu.vector_store %arg3[%swap3A, %swap3A_6], %dot_general3A_5 {strides = array<i32>} : memref<2048x128xf32, #tpu.memory_space<vmem>>, vector<2048x128xf32>,
    return
  }
  func.func @transform_0(%arg0: i32) -> (i32, i32) {
    %c0_i32 = arith.constant 0 : i32
    %c0_i32_0 = arith.constant 0 : i32
    return %arg0, %c0_i32 : i32, i32
  }
  func.func @transform_1(%arg0: i32) -> (i32, i32) {
    %c0_i32 = arith.constant 0 : i32
    %c0_i32_0 = arith.constant 0 : i32
    %c0_i32_1 = arith.constant 0 : i32
    return %c0_i32, %c0_i32_0 : i32, i32
  }
  func.func @transform_2(%arg0: i32) -> (i32, i32) {
    %c0_i32 = arith.constant 0 : i32
    %c0_i32_0 = arith.constant 0 : i32
    return %arg0, %c0_i32 : i32, i32
  }
}

module attributes {stable_mosaic.version = 14 : i64} {
  func.func @_scale_body(%arg0: i32, %arg1: memref<2048x128xf32, #tpu.memory_space<vmem>>, %arg2: memref<2x2048xf32, #tpu.memory_space<vmem>>, %arg3: memref<2048x128xf32, #tpu.memory_space<vmem>>, %arg4: memref<2048x1xf32, #tpu.memory_space<vmem>>) attributes {dimension_semantics = [#tpu.dimension_semantics<arbitrary>], iteration_bounds = array<i64: 5>, scalar_prefetch = 0 : i64, scratch_operands = 0 : i64, tpu.core_type = #tpu.core_type<tc>, window_params = [{transform_indices = @transform_0, window_bounds = array<i64: 2048, 128>}, {transform_indices = @transform_1, window_bounds = array<i64: 2, 2048>}, {transform_indices = @transform_2, window_bounds = array<i64: 2048, 128>}, {transform_indices = @transform_3, window_bounds = array<i64: 2048, 1>}]} {
    %broadcast_in_dim3A = arith.constant 1.000000e+00 : f32
    %broadcast_in_dim3A_0 = vector.broadcast %broadcast_in_dim3A : f32 to vector<2x1xf32>
    %get3A = arith.constant 0 : index
    %get3A_1 = arith.constant 0 : index
    %get3A_2 = vector.load %arg2[%get3A, %get3A_1] : memref<2x2048xf32, #tpu.memory_space<vmem>>, vector<2x2048xf32>
    %dot_general3A = arith.constant dense<0.000000e+00> : vector<2048x1xf32>
    %dot_general3A_3 = tpu.matmul %get3A_2, %broadcast_in_dim3A_0, %dot_general3A {dimension_numbers = #tpu.dot_dimension_numbers<[0], [0], [1], [1], [0, 1, 1, 1], [], []>, transpose_lhs_hint = false} : vector<2x2048xf32>, vector<2x1xf32>, vector<2048x1xf32> -> vector<2048x1xf32>
    %add3A = arith.constant 1.000000e+00 : f32
    %add3A_4 = vector.broadcast %add3A : f32 to vector<2048x1xf32>
    %add3A_5 = arith.addf %dot_general3A_3, %add3A_4 : vector<2048x1xf32>
    %rsqrt3A = math.rsqrt %add3A_5 : vector<2048x1xf32>
    %get3A_6 = arith.constant 0 : index
    %get3A_7 = arith.constant 0 : index
    %get3A_8 = vector.load %arg1[%get3A_6, %get3A_7] : memref<2048x128xf32, #tpu.memory_space<vmem>>, vector<2048x128xf32>
    %mul3A = vector.broadcast %rsqrt3A : vector<2048x1xf32> to vector<2048x128xf32>
    %mul3A_9 = arith.mulf %get3A_8, %mul3A : vector<2048x128xf32>
    %swap3A = arith.constant 0 : index
    %swap3A_10 = arith.constant 0 : index
    %swap3A_11 = vector.load %arg3[%swap3A, %swap3A_10] : memref<2048x128xf32, #tpu.memory_space<vmem>>, vector<2048x128xf32>
    tpu.vector_store %arg3[%swap3A, %swap3A_10], %mul3A_9 {strides = array<i32>} : memref<2048x128xf32, #tpu.memory_space<vmem>>, vector<2048x128xf32>,
    %swap3A_12 = arith.constant 0 : index
    %swap3A_13 = arith.constant 0 : index
    %swap3A_14 = vector.load %arg4[%swap3A_12, %swap3A_13] : memref<2048x1xf32, #tpu.memory_space<vmem>>, vector<2048x1xf32>
    tpu.vector_store %arg4[%swap3A_12, %swap3A_13], %rsqrt3A {strides = array<i32>} : memref<2048x1xf32, #tpu.memory_space<vmem>>, vector<2048x1xf32>,
    return
  }
  func.func @transform_0(%arg0: i32) -> (i32, i32) {
    %c0_i32 = arith.constant 0 : i32
    %c0_i32_0 = arith.constant 0 : i32
    return %arg0, %c0_i32 : i32, i32
  }
  func.func @transform_1(%arg0: i32) -> (i32, i32) {
    %c0_i32 = arith.constant 0 : i32
    %c0_i32_0 = arith.constant 0 : i32
    return %c0_i32, %arg0 : i32, i32
  }
  func.func @transform_2(%arg0: i32) -> (i32, i32) {
    %c0_i32 = arith.constant 0 : i32
    %c0_i32_0 = arith.constant 0 : i32
    return %arg0, %c0_i32 : i32, i32
  }
  func.func @transform_3(%arg0: i32) -> (i32, i32) {
    %c0_i32 = arith.constant 0 : i32
    %c0_i32_0 = arith.constant 0 : i32
    return %arg0, %c0_i32 : i32, i32
  }
}

module attributes {stable_mosaic.version = 14 : i64} {
  func.func @_final_body(%arg0: i32, %arg1: memref<2x2000x128xf32, #tpu.memory_space<vmem>>, %arg2: memref<2000x128xf32, #tpu.memory_space<vmem>>, %arg3: memref<2000x128xf32, #tpu.memory_space<vmem>>, %arg4: memref<2000x1xf32, #tpu.memory_space<vmem>>, %arg5: memref<1x128xf32, #tpu.memory_space<vmem>>, %arg6: memref<128x256xf32, #tpu.memory_space<vmem>>, %arg7: memref<1x256xf32, #tpu.memory_space<vmem>>, %arg8: memref<256x256xf32, #tpu.memory_space<vmem>>, %arg9: memref<1x256xf32, #tpu.memory_space<vmem>>, %arg10: memref<256x1xf32, #tpu.memory_space<vmem>>, %arg11: memref<1x1xf32, #tpu.memory_space<vmem>>, %arg12: memref<500x1xf32, #tpu.memory_space<vmem>>) attributes {dimension_semantics = [#tpu.dimension_semantics<arbitrary>], iteration_bounds = array<i64: 5>, scalar_prefetch = 0 : i64, scratch_operands = 0 : i64, tpu.core_type = #tpu.core_type<tc>, window_params = [{transform_indices = @transform_0, window_bounds = array<i64: 2, 2000, 128>}, {transform_indices = @transform_1, window_bounds = array<i64: 2000, 128>}, {transform_indices = @transform_2, window_bounds = array<i64: 2000, 128>}, {transform_indices = @transform_3, window_bounds = array<i64: 2000, 1>}, {pipeline_mode = #tpu.pipeline_mode<synchronous>, transform_indices = @transform_4, window_bounds = array<i64: 1, 128>}, {pipeline_mode = #tpu.pipeline_mode<synchronous>, transform_indices = @transform_5, window_bounds = array<i64: 128, 256>}, {pipeline_mode = #tpu.pipeline_mode<synchronous>, transform_indices = @transform_6, window_bounds = array<i64: 1, 256>}, {pipeline_mode = #tpu.pipeline_mode<synchronous>, transform_indices = @transform_7, window_bounds = array<i64: 256, 256>}, {pipeline_mode = #tpu.pipeline_mode<synchronous>, transform_indices = @transform_8, window_bounds = array<i64: 1, 256>}, {pipeline_mode = #tpu.pipeline_mode<synchronous>, transform_indices = @transform_9, window_bounds = array<i64: 256, 1>}, {pipeline_mode = #tpu.pipeline_mode<synchronous>, transform_indices = @transform_10, window_bounds = array<i64: 1, 1>}, {pipeline_mode = #tpu.pipeline_mode<synchronous>, transform_indices = @transform_11, window_bounds = array<i64: 500, 1>}]} {
    %get3A = arith.constant 0 : index
    %get3A_0 = arith.constant 0 : index
    %get3A_1 = arith.constant 0 : index
    %get3A_2 = vector.load %arg1[%get3A, %get3A_0, %get3A_1] : memref<2x2000x128xf32, #tpu.memory_space<vmem>>, vector<1x2000x128xf32>
    %get3A_3 = vector.shape_cast %get3A_2 : vector<1x2000x128xf32> to vector<2000x128xf32>
    %get3A_4 = arith.constant 1 : index
    %get3A_5 = arith.constant 0 : index
    %get3A_6 = arith.constant 0 : index
    %get3A_7 = vector.load %arg1[%get3A_4, %get3A_5, %get3A_6] : memref<2x2000x128xf32, #tpu.memory_space<vmem>>, vector<1x2000x128xf32>
    %get3A_8 = vector.shape_cast %get3A_7 : vector<1x2000x128xf32> to vector<2000x128xf32>
    %add3A = arith.addf %get3A_3, %get3A_8 : vector<2000x128xf32>
    %get3A_9 = arith.constant 0 : index
    %get3A_10 = arith.constant 0 : index
    %get3A_11 = vector.load %arg2[%get3A_9, %get3A_10] : memref<2000x128xf32, #tpu.memory_space<vmem>>, vector<2000x128xf32>
    %add3A_12 = arith.addf %add3A, %get3A_11 : vector<2000x128xf32>
    %get3A_13 = arith.constant 0 : index
    %get3A_14 = arith.constant 0 : index
    %get3A_15 = vector.load %arg4[%get3A_13, %get3A_14] : memref<2000x1xf32, #tpu.memory_space<vmem>>, vector<2000x1xf32>
    %mul3A = vector.broadcast %get3A_15 : vector<2000x1xf32> to vector<2000x128xf32>
    %mul3A_16 = arith.mulf %add3A_12, %mul3A : vector<2000x128xf32>
    %get3A_17 = arith.constant 0 : index
    %get3A_18 = arith.constant 0 : index
    %get3A_19 = vector.load %arg5[%get3A_17, %get3A_18] : memref<1x128xf32, #tpu.memory_space<vmem>>, vector<1x128xf32>
    %add3A_20 = vector.broadcast %get3A_19 : vector<1x128xf32> to vector<2000x128xf32>
    %add3A_21 = arith.addf %mul3A_16, %add3A_20 : vector<2000x128xf32>
    %max3A = arith.constant 0.000000e+00 : f32
    %max3A_22 = vector.broadcast %max3A : f32 to vector<2000x128xf32>
    %max3A_23 = arith.maximumf %add3A_21, %max3A_22 : vector<2000x128xf32>
    %get3A_24 = arith.constant 0 : index
    %get3A_25 = arith.constant 0 : index
    %get3A_26 = vector.load %arg3[%get3A_24, %get3A_25] : memref<2000x128xf32, #tpu.memory_space<vmem>>, vector<2000x128xf32>
    %add3A_27 = arith.addf %max3A_23, %get3A_26 : vector<2000x128xf32>
    %get3A_28 = arith.constant 0 : index
    %get3A_29 = arith.constant 0 : index
    %get3A_30 = vector.load %arg6[%get3A_28, %get3A_29] : memref<128x256xf32, #tpu.memory_space<vmem>>, vector<128x256xf32>
    %dot_general3A = arith.constant dense<0.000000e+00> : vector<2000x256xf32>
    %dot_general3A_31 = tpu.matmul %add3A_27, %get3A_30, %dot_general3A {dimension_numbers = #tpu.dot_dimension_numbers<[1], [0], [0], [1], [0, 0, 1, 1], [], []>, transpose_lhs_hint = false} : vector<2000x128xf32>, vector<128x256xf32>, vector<2000x256xf32> -> vector<2000x256xf32>
    %get3A_32 = arith.constant 0 : index
    %get3A_33 = arith.constant 0 : index
    %get3A_34 = vector.load %arg7[%get3A_32, %get3A_33] : memref<1x256xf32, #tpu.memory_space<vmem>>, vector<1x256xf32>
    %add3A_35 = vector.broadcast %get3A_34 : vector<1x256xf32> to vector<2000x256xf32>
    %add3A_36 = arith.addf %dot_general3A_31, %add3A_35 : vector<2000x256xf32>
    %max3A_37 = arith.constant 0.000000e+00 : f32
    %max3A_38 = vector.broadcast %max3A_37 : f32 to vector<2000x256xf32>
    %max3A_39 = arith.maximumf %add3A_36, %max3A_38 : vector<2000x256xf32>
    %get3A_40 = arith.constant 0 : index
    %get3A_41 = arith.constant 0 : index
    %get3A_42 = vector.load %arg8[%get3A_40, %get3A_41] : memref<256x256xf32, #tpu.memory_space<vmem>>, vector<256x256xf32>
    %dot_general3A_43 = arith.constant dense<0.000000e+00> : vector<2000x256xf32>
    %dot_general3A_44 = tpu.matmul %max3A_39, %get3A_42, %dot_general3A_43 {dimension_numbers = #tpu.dot_dimension_numbers<[1], [0], [0], [1], [0, 0, 1, 1], [], []>, transpose_lhs_hint = false} : vector<2000x256xf32>, vector<256x256xf32>, vector<2000x256xf32> -> vector<2000x256xf32>
    %get3A_45 = arith.constant 0 : index
    %get3A_46 = arith.constant 0 : index
    %get3A_47 = vector.load %arg9[%get3A_45, %get3A_46] : memref<1x256xf32, #tpu.memory_space<vmem>>, vector<1x256xf32>
    %add3A_48 = vector.broadcast %get3A_47 : vector<1x256xf32> to vector<2000x256xf32>
    %add3A_49 = arith.addf %dot_general3A_44, %add3A_48 : vector<2000x256xf32>
    %max3A_50 = arith.constant 0.000000e+00 : f32
    %max3A_51 = vector.broadcast %max3A_50 : f32 to vector<2000x256xf32>
    %max3A_52 = arith.maximumf %add3A_49, %max3A_51 : vector<2000x256xf32>
    %reshape3A = vector.shape_cast %max3A_52 : vector<2000x256xf32> to vector<100x20x256xf32>
    %reduce_sum3A = arith.constant dense<0.000000e+00> : vector<100x256xf32>
    %reduce_sum3A_53 = vector.multi_reduction <add>, %reshape3A, %reduce_sum3A [1] : vector<100x20x256xf32> to vector<100x256xf32>
    %get3A_54 = arith.constant 0 : index
    %get3A_55 = arith.constant 0 : index
    %get3A_56 = vector.load %arg10[%get3A_54, %get3A_55] : memref<256x1xf32, #tpu.memory_space<vmem>>, vector<256x1xf32>
    %dot_general3A_57 = arith.constant dense<0.000000e+00> : vector<100x1xf32>
    %dot_general3A_58 = tpu.matmul %reduce_sum3A_53, %get3A_56, %dot_general3A_57 {dimension_numbers = #tpu.dot_dimension_numbers<[1], [0], [0], [1], [0, 0, 1, 1], [], []>, transpose_lhs_hint = false} : vector<100x256xf32>, vector<256x1xf32>, vector<100x1xf32> -> vector<100x1xf32>
    %get3A_59 = arith.constant 0 : index
    %get3A_60 = arith.constant 0 : index
    %get3A_61 = vector.load %arg11[%get3A_59, %get3A_60] : memref<1x1xf32, #tpu.memory_space<vmem>>, vector<1x1xf32>
    %add3A_62 = vector.broadcast %get3A_61 : vector<1x1xf32> to vector<100x1xf32>
    %add3A_63 = arith.addf %dot_general3A_58, %add3A_62 : vector<100x1xf32>
    %mul3A_64 = arith.constant 100 : i32
    %mul3A_65 = arith.muli %arg0, %mul3A_64 : i32
    %swap3A = arith.index_cast %mul3A_65 : i32 to index
    %swap3A_66 = arith.constant 0 : index
    %swap3A_67 = vector.load %arg12[%swap3A, %swap3A_66] : memref<500x1xf32, #tpu.memory_space<vmem>>, vector<100x1xf32>
    tpu.vector_store %arg12[%swap3A, %swap3A_66], %add3A_63 {strides = array<i32>} : memref<500x1xf32, #tpu.memory_space<vmem>>, vector<100x1xf32>,
    return
  }
  func.func @transform_0(%arg0: i32) -> (i32, i32, i32) {
    %c0_i32 = arith.constant 0 : i32
    %c0_i32_0 = arith.constant 0 : i32
    %c0_i32_1 = arith.constant 0 : i32
    return %c0_i32, %arg0, %c0_i32_0 : i32, i32, i32
  }
  func.func @transform_1(%arg0: i32) -> (i32, i32) {
    %c0_i32 = arith.constant 0 : i32
    %c0_i32_0 = arith.constant 0 : i32
    return %arg0, %c0_i32 : i32, i32
  }
  func.func @transform_2(%arg0: i32) -> (i32, i32) {
    %c0_i32 = arith.constant 0 : i32
    %c0_i32_0 = arith.constant 0 : i32
    return %arg0, %c0_i32 : i32, i32
  }
  func.func @transform_3(%arg0: i32) -> (i32, i32) {
    %c0_i32 = arith.constant 0 : i32
    %c0_i32_0 = arith.constant 0 : i32
    return %arg0, %c0_i32 : i32, i32
  }
  func.func @transform_4(%arg0: i32) -> (i32, i32) {
    %c0_i32 = arith.constant 0 : i32
    %c0_i32_0 = arith.constant 0 : i32
    %c0_i32_1 = arith.constant 0 : i32
    return %c0_i32, %c0_i32_0 : i32, i32
  }
  func.func @transform_5(%arg0: i32) -> (i32, i32) {
    %c0_i32 = arith.constant 0 : i32
    %c0_i32_0 = arith.constant 0 : i32
    %c0_i32_1 = arith.constant 0 : i32
    return %c0_i32, %c0_i32_0 : i32, i32
  }
  func.func @transform_6(%arg0: i32) -> (i32, i32) {
    %c0_i32 = arith.constant 0 : i32
    %c0_i32_0 = arith.constant 0 : i32
    %c0_i32_1 = arith.constant 0 : i32
    return %c0_i32, %c0_i32_0 : i32, i32
  }
  func.func @transform_7(%arg0: i32) -> (i32, i32) {
    %c0_i32 = arith.constant 0 : i32
    %c0_i32_0 = arith.constant 0 : i32
    %c0_i32_1 = arith.constant 0 : i32
    return %c0_i32, %c0_i32_0 : i32, i32
  }
  func.func @transform_8(%arg0: i32) -> (i32, i32) {
    %c0_i32 = arith.constant 0 : i32
    %c0_i32_0 = arith.constant 0 : i32
    %c0_i32_1 = arith.constant 0 : i32
    return %c0_i32, %c0_i32_0 : i32, i32
  }
  func.func @transform_9(%arg0: i32) -> (i32, i32) {
    %c0_i32 = arith.constant 0 : i32
    %c0_i32_0 = arith.constant 0 : i32
    %c0_i32_1 = arith.constant 0 : i32
    return %c0_i32, %c0_i32_0 : i32, i32
  }
  func.func @transform_10(%arg0: i32) -> (i32, i32) {
    %c0_i32 = arith.constant 0 : i32
    %c0_i32_0 = arith.constant 0 : i32
    %c0_i32_1 = arith.constant 0 : i32
    return %c0_i32, %c0_i32_0 : i32, i32
  }
  func.func @transform_11(%arg0: i32) -> (i32, i32) {
    %c0_i32 = arith.constant 0 : i32
    %c0_i32_0 = arith.constant 0 : i32
    %c0_i32_1 = arith.constant 0 : i32
    return %c0_i32, %c0_i32_0 : i32, i32
  }
}

</mosaic_0001>

<sc_bundles>
// kernel: kernel.10.cloned.1.call-start
scs
__scs_entry_jumppad:
0x0: {  	(pc) =	sbr.rel $0x88, $3  }
0x1: {  	(tag) =	ssettag $0x0;
	lr =	simm.s32 $0x1  }
0x2: {  	[smem:$0x3F97] =	sst lr;
	_ =	strace $0xD0000000  }
0x3: {  	_ = 	snop  }
0x4: {  	_ = 	snop  }
0x5: {  	_ = 	snop  }
0x6: {  	_ = 	snop  }
0x7: {  	_ = 	snop  }
__scs_overlays_trampoline_lowered:
0x8: {  	[smem:$0x3FA6] =	sst s0  }
0x9: {  	[smem:$0x3FA7] =	sst s1  }
0xa: {  	[smem:$0x3FA8] =	sst s2  }
0xb: {  	[smem:$0x3FA9] =	sst s3  }
0xc: {  	[smem:$0x3FAA] =	sst s4  }
0xd: {  	[smem:$0x3FAB] =	sst s5  }
0xe: {  	[smem:$0x3FAC] =	sst s6  }
0xf: {  	[smem:$0x3FAD] =	sst s7  }
0x10: {  	[smem:$0x3FAE] =	sst s8  }
0x11: {  	[smem:$0x3FAF] =	sst s9;
	s0 =	simm.s32 @!p0 $0x0  }
0x12: {  	s1 =	sld [smem:$0x3F95];
	s0 =	simm.s32 @p0 $0x1  }
0x13: {  	[smem:$0x3FB0] =	sst s0;
	s0 =	simm.s32 @!p1 $0x0  }
0x14: {  	s2 =	sld [smem:$0x3F94];
	s0 =	simm.s32 @p1 $0x1  }
0x15: {  	[smem:$0x3FB1] =	sst s0;
	s0 =	simm.s32 @!p2 $0x0  }
0x16: {  	s3 =	sld [smem:$0x3FDB];
	s0 =	simm.s32 @p2 $0x1  }
0x17: {  	s4 =	simm.s32 $0x1BF5;
	[smem:$0x3FB3] =	sst s0  }
0x18: {  	s0 =	sld [smem:$0x3F96];
	_ =	swait.ge [sflag:s4], $0x0  }
0x19: {  	s7 =	sld [smem:$0x3F97]  }
0x1a: {  	s8 =	sadd.s32 $0xFFFFE003, lr  }
0x1b: {  	s9 =	sadd.s32 $0xFFFFFEF7, lr;
	s5 =	simm.s32 $0xFFFFFFFF;
	p2 =	slt.u32 s8, $0xFFFFF086  }
0x1c: {  	p1 =	slt.u32 s9, $0xF7A;
	s5 =	simm.s32 @!p2 $0x0  }
0x1d: {  	s5 =	simm.s32 @p1 $0x1;
	p0 =	seq.s32 s7, s2  }
0x1e: {  	s7 =	smul.u32 @!p0 $0xF7A, s2;
	p2 =	seq.s32 @!p0 s5, $0x0  }
0x1f: {  	s9 =	smul.u32 $0xF7A, s1;
	s8 =	simm.s32 @!p0 $0x1BF5;
	p2 =	por !p2, p0  }
0x20: {  	[sflag:s8] =	ssyncset.s32 @!p0 $0xFFFFF086;
	s6 =	sadd.s32 @!p0 s3, s7;
	s7 =	simm.s32 @!p0 $0x108  }
0x21: {  	s3 =	sadd.s32 s3, s9;
	s6 =	sadd.s32 @!p0 $0x88, s6;
	s7 =	simm.s32 @p2 $0x1082  }
0x22: {  	[simem:s7], [sflag:s8] =	dma.local @!p0 [hbm:s6], $0xF7A  }
0x23: {  	s9 =	sor.u32 $0xD0000000, s2;
	s6 =	simm.s32 $0x108;
	_ =	swait.ge @!p0 [sflag:s8], $0x0  }
0x24: {  	s3 =	sadd.s32 $0x88, s3;
	s6 =	simm.s32 @!p1 $0x1082;
	[sflag:s4] =	ssyncset.s32 $0xFFFFF086  }
0x25: {  	[simem:s6], [sflag:s4] =	dma.local [hbm:s3], $0xF7A  }
0x26: {  	[smem:$0x3F97] =	sst s1;
	(tag) =	ssettag s2;
	_ =	strace s9  }
0x27: {  	s1 =	sld [smem:$0x3FA7]  }
0x28: {  	s2 =	sld [smem:$0x3FA8]  }
0x29: {  	s4 =	sld [smem:$0x3FAA]  }
0x2a: {  	p0 =	seq.s32 s5, $0x0;
	s5 =	sld [smem:$0x3FAB]  }
0x2b: {  	s6 =	sld [smem:$0x3FAC]  }
0x2c: {  	s7 =	sld [smem:$0x3FAD]  }
0x2d: {  	s3 =	simm.s32 $0x108;
	s8 =	sld [smem:$0x3FAE]  }
0x2e: {  	s3 =	simm.s32 @!p0 $0x1082;
	s9 =	sld [smem:$0x3FAF]  }
0x2f: {  	lr =	sadd.s32 s0, s3;
	s0 =	sld [smem:$0x3FA6]  }
0x30: {  	s3 =	sld [smem:$0x3FA9]  }
0x31: {  	[smem:$0x3FB2] =	sst s10  }
0x32: {  	s10 =	sld [smem:$0x3FB0];
	_ =	sdelay $0x3  }
0x33: {  	p0 =	seq.s32 s10, $0x1;
	s10 =	sld [smem:$0x3FB2];
	_ =	sdelay $0x3  }
0x34: {  	[smem:$0x3FB2] =	sst s10  }
0x35: {  	s10 =	sld [smem:$0x3FB1];
	_ =	sdelay $0x3  }
0x36: {  	p1 =	seq.s32 s10, $0x1;
	s10 =	sld [smem:$0x3FB2];
	_ =	sdelay $0x3  }
0x37: {  	[smem:$0x3FB2] =	sst s10  }
0x38: {  	s10 =	sld [smem:$0x3FB3]  }
0x39: {  	_ = 	snop;
	(pc) =	sbr.ind lr, $3  }
0x3a: {  	_ = 	snop  }
0x3b: {  	_ = 	snop  }
0x3c: {  	p2 =	seq.s32 s10, $0x1;
	s10 =	sld [smem:$0x3FB2]  }
0x3d: {  	_ =	shalt  }
0x3e: {  	_ =	shalt  }
0x3f: {  	_ =	shalt  }
0x40: {  	_ =	shalt  }
0x41: {  	_ =	shalt  }
0x42: {  	_ =	shalt  }
0x43: {  	_ =	shalt  }
0x44: {  	_ =	shalt  }
0x45: {  	_ =	shalt  }
0x46: {  	_ =	shalt  }
0x47: {  	_ =	shalt  }
0x48: {  	_ =	shalt  }
0x49: {  	_ =	shalt  }
0x4a: {  	_ =	shalt  }
0x4b: {  	_ =	shalt  }
0x4c: {  	_ =	shalt  }
0x4d: {  	_ =	shalt  }
0x4e: {  	_ =	shalt  }
0x4f: {  	_ =	shalt  }
0x50: {  	_ =	shalt  }
0x51: {  	_ =	shalt  }
0x52: {  	_ =	shalt  }
0x53: {  	_ =	shalt  }
0x54: {  	_ =	shalt  }
0x55: {  	_ =	shalt  }
0x56: {  	_ =	shalt  }
0x57: {  	_ =	shalt  }
0x58: {  	_ =	shalt  }
0x59: {  	_ =	shalt  }
0x5a: {  	_ =	shalt  }
0x5b: {  	_ =	shalt  }
0x5c: {  	_ =	shalt  }
0x5d: {  	_ =	shalt  }
0x5e: {  	_ =	shalt  }
0x5f: {  	_ =	shalt  }
0x60: {  	_ =	shalt  }
0x61: {  	_ =	shalt  }
0x62: {  	_ =	shalt  }
0x63: {  	_ =	shalt  }
0x64: {  	_ =	shalt  }
0x65: {  	_ =	shalt  }
0x66: {  	_ =	shalt  }
0x67: {  	_ =	shalt  }
0x68: {  	_ =	shalt  }
0x69: {  	_ =	shalt  }
0x6a: {  	_ =	shalt  }
0x6b: {  	_ =	shalt  }
0x6c: {  	_ =	shalt  }
0x6d: {  	_ =	shalt  }
0x6e: {  	_ =	shalt  }
0x6f: {  	_ =	shalt  }
0x70: {  	_ =	shalt  }
0x71: {  	_ =	shalt  }
0x72: {  	_ =	shalt  }
0x73: {  	_ =	shalt  }
0x74: {  	_ =	shalt  }
0x75: {  	_ =	shalt  }
0x76: {  	_ =	shalt  }
0x77: {  	_ =	shalt  }
0x78: {  	_ =	shalt  }
0x79: {  	_ =	shalt  }
0x7a: {  	_ =	shalt  }
0x7b: {  	_ =	shalt  }
0x7c: {  	_ =	shalt  }
0x7d: {  	_ =	shalt  }
0x7e: {  	_ =	shalt  }
0x7f: {  	_ =	shalt  }
0x80: {  	_ =	shalt  }
0x81: {  	_ =	shalt  }
0x82: {  	_ =	shalt  }
0x83: {  	_ =	shalt  }
0x84: {  	_ =	shalt  }
0x85: {  	_ =	shalt  }
0x86: {  	_ =	shalt  }
0x87: {  	_ =	shalt  }
.Lfunc_end0:
.L_simem_size_0:
called_computation.1_lowered:
.L_overlay_start_0:
0x88: {  	s2 =	sld [smem:$0x3FD9]  }
0x89: {  	s3 =	sld [smem:$0x3FFE];
	_ =	sdelay $0x1  }
0x8a: {  	s1 =	srdreg.scid  }
0x8b: {  	s0 =	sand.u32 $0x1, s1  }
0x8c: {  	s16 =	sshll.u32 s0, $0xA;
	s2 =	sadd.s32 s3, s2  }
0x8d: {  	s2 =	sadd.s32 s2, s16  }
0x8e: {  	[smem:$0x3FBE] =	sst s2  }
0x8f: {  	_ = 	snop  }
0x90: {  	(tm) =	ssettm $0x1  }
0x91: {  	s17 =	sld [smem:$0x3FFB];
	_ =	sdelay $0x3  }
0x92: {  	_ =	strace s17  }
0x93: {  	s2 =	sld [smem:$0x3FFC];
	_ =	sdelay $0x3  }
0x94: {  	_ =	strace s2  }
0x95: {  	s2 =	sld [smem:$0x3FFD];
	_ =	sdelay $0x3  }
0x96: {  	_ =	strace s2  }
0x97: {  	_ =	strace $0x8FFFFFFF  }
0x98: {  	s18 =	sld [smem:$0x3FDB];
	_ =	sdelay $0x1  }
0x99: {  	s19 =	simm.s32 $_scs_section_size  }
0x9a: {  	s4 =	simm.s32 $_size__tile_overlayer_lowered;
	s5 =	simm.s32 $_tile_overlayer_lowered  }
0x9b: {  	s22 =	simm.s32 $0x1BFF;
	s21 =	sshll.u32 s5, $0x1;
	s2 =	sadd.s32 s19, s18  }
0x9c: {  	s6 =	simm.s32 $0x0;
	s20 =	sshll.u32 s4, $0x1;
	s4 =	sadd.s32 s21, s2  }
0x9d: {  	[timem:s6], [sflag:s22] =	dma.local [hbm:s4], s20  }
0x9e: {  	_ =	swait.ge [sflag:s22], s20  }
0x9f: {  	s3 =	ssub.s32 $0x0, s20;
	[sflag:s22] =	ssyncset.done $0x0  }
0xa0: {  	[sflag:s22] =	ssyncadd.s32 s3;
	_ =	sdelay $0x1  }
0xa1: {  	s23 =	simm.s32 $0x1B8B  }
0xa2: {  	_ =	swait.ge [sflag:s23], $0x1  }
0xa3: {  	[sflag:s23] =	ssyncset.done $0x0  }
0xa4: {  	s25 =	simm.s32 $0x1B8E;
	s24 =	sld [smem:$0x3FFE];
	[sflag:s23] =	ssyncadd.s32 $0xFFFFFFFF  }
0xa5: {  	s26 =	simm.s32 $execute0_lowered;
	[smem:$0x3FD2] =	sst s25  }
0xa6: {  	s4 =	sshll.u32 s26, $0x1;
	_ =	strace $0x80000049;
	[dreg:$0x1] =	wrdreg $0xFFFFFFFF  }
0xa7: {  	s28 =	simm.s32 $_size_execute0_lowered;
	s2 =	sadd.s32 s2, s4;
	[dreg:$0x0] =	wrdreg $0x0  }
0xa8: {  	s4 =	sshll.u32 s28, $0x1;
	[dreg:$0x2] =	wrdreg s2  }
0xa9: {  	[dreg:$0x3] =	wrdreg s4  }
0xaa: {  	[dreg:$0x4] =	wrdreg $0xC0  }
0xab: {  	_ =	task [dreg:s6], $0x5FFFF  }
0xac: {  	[dreg:$0x1] =	wrdreg $0xFFFFFFFF  }
0xad: {  	[dreg:$0x0] =	wrdreg $0x60  }
0xae: {  	[dreg:$0x2] =	wrdreg s24  }
0xaf: {  	[dreg:$0x3] =	wrdreg $0xA8000  }
0xb0: {  	[dreg:$0x4] =	wrdreg $0x9  }
0xb1: {  	_ =	task.clear_ibuf [dreg:s6], $0x5FFFF;
	_ =	strace $0x90000049  }
0xb2: {  	s29 =	simm.s32 $0x9;
	_ =	strace $0x8000004B  }
0xb3: {  	_ =	swait.ge [sflag:s29], $0x1  }
0xb4: {  	[sflag:s29] =	ssyncadd.s32 $0xFFFFFFFF  }
0xb5: {  	_ =	strace $0x9000004B  }
0xb6: {  	_ =	sfence  }
0xb7: {  	s30 =	sld [smem:$0x0];
	_ =	sdelay $0x2  }
0xb8: {  	s31 =	sshll.u32 s1, $0xD;
	s1 =	sshrl.u32 s1, $0x2  }
0xb9: {  	s3 =	sand.u32 $0x4000, s31;
	s1 =	sadd.s32 s1, s30  }
0xba: {  	s0 =	sor.u32 s3, s0;
	s1 =	sshll.u32 s1, $0x11  }
0xbb: {  	s0 =	sor.u32 s1, s0  }
0xbc: {  	s0 =	sadd.s32 $0x8F2B, s0  }
0xbd: {  	[sflag:s0] =	ssyncadd.remote.s32 $0x1  }
0xbe: {  	_ =	sfence.sel $0xFFFF  }
0xbf: {  	[dreg:$0x0] =	wrdreg $0xFFFFFFFF;
	(pc) =	sbr.abs _section_cstart, $3  }
0xc0: {  	[dreg:$0x1] =	wrdreg $0xFFFFFFFF  }
0xc1: {  	_ =	task.clear_ibuf [dreg:s6], $0x2FFFF;
	_ =	strace $0x9FFFFFFF  }
0xc2: {  	(tm) =	ssettm $0x7FFFFFFF  }
0xc3: {  	_ =	shalt  }
tec
execute0_lowered:
.L_overlay_start_1:
0x0: {  	(tag) =	ssettag $0x1  }
0x1: {  	s0 =	srdreg.scid  }
0x2: {  	s4 =	stileid.u32;
	s6 =	rddreg [dreg:$0x0]  }
0x3: {  	s2 =	rddreg [dreg:$0x1];
	s3 =	simm.s32 $0x0;
	s16 =	simm.s32 $0x2800  }
0x4: {  	s17 =	simm.s32 $0x5;
	s18 =	simm.s32 $0x1400;
	s19 =	simm.s32 $0x80  }
0x5: {  	s20 =	simm.s32 $0x6800;
	s21 =	simm.s32 $0x1;
	s22 =	simm.s32 $0x3  }
0x6: {  	s23 =	simm.s32 $0x100;
	s28 =	simm.s32 $0x1380;
	s29 =	simm.s32 $0x2700  }
0x7: {  	s30 =	simm.s32 $0x2780;
	s31 =	simm.s32 $0x0;
	s7 =	smul.u32 $0x14000, s4  }
0x8: {  	s0 =	sand.u32 $0x1, s0;
	s1 =	sshll.u32 s4, $0x1;
	s8 =	smul.u32 $0x50000, s4  }
0x9: {  	[smem:$0x7FF] =	sst s3;
	s1 =	sor.u32 s0, s1;
	s5 =	smul.u32 $0x140000, s0  }
0xa: {  	s4 =	sadd.s32 $0x16C00, s6;
	s0 =	ssub.s32 $0x2, s0;
	s1 =	smul.u32 $0x2800, s1  }
0xb: {  	_ =	strace $0x8000004A;
	s24 =	sshrl.u32 s8, $0x2;
	s9 =	sshrl.u32 s0, $0x1  }
0xc: {  	s5 =	sadd.s32 s7, s5;
	s0 =	ssub.s32 s0, s9;
	s1 =	sshrl.u32 s1, $0x3  }
0xd: {  	s25 =	sshrl.u32 s5, $0x3;
	s5 =	sadd.s32 s24, s2;
	s15 =	smax.u32 s0, $0x1  }
0xe: {  	s24 =	simm.s32 $0x2;
	s1 =	sadd.s32 s1, s6;
	s14 =	sadd.s32 s25, s6  }
0xf: {  	s26 =	sadd.s32 $0x4000, s5;
	s7 =	sadd.s32 $0x8000, s5;
	s8 =	sadd.s32 $0xC000, s5  }
0x10: {  	s9 =	sadd.s32 $0x10000, s5;
	s25 =	simm.s32 $0x1480;
	[dreg:$0x3] =	wrdreg s26  }
0x11: {  	s10 =	sadd.s32 $0x2C00, s1;
	s11 =	sadd.s32 $0xCC00, s1;
	s12 =	sadd.s32 $0x2E80, s1  }
0x12: {  	v0 =	vimm.f32 $0.0e+00;
	s13 =	sadd.s32 $0xCE80, s1;
	s14 =	sadd.s32 $0x3EC00, s14;
	s26 =	simm.s32 $0x4  }
.LBB2_1:
0x13: {  	s1 =	simm.s32 $0x0;
	s0 =	simm.s32 $0x200  }
.LBB2_2:
0x14: {  	p0 =	sne.s32 s0, $0xFE00;
	[tilespmem:s1+$0x2870] =	vst v0  }
0x15: {  	[tilespmem:s1+$0x2800] =	vst v0  }
0x16: {  	[tilespmem:s1+$0x2810] =	vst v0  }
.Ltmp0:
0x17: {  	[tilespmem:s1+$0x2820] =	vst v0;
	(pc) =	sbr.rel @p0 .LBB2_2-.Ltmp0, $4  }
0x18: {  	[tilespmem:s1+$0x2830] =	vst v0  }
0x19: {  	[tilespmem:s1+$0x2840] =	vst v0  }
0x1a: {  	[tilespmem:s1+$0x2850] =	vst v0  }
0x1b: {  	[tilespmem:s1+$0x2860] =	vst v0;
	s1 =	sshra.s32 s0, $0x2;
	s0 =	sadd.s32 $0x200, s0  }
0x1c: {  	[tilespmem:s1+$0x2870] =	vst v0  }
0x1d: {  	[tilespmem:s1+$0x2800] =	vst v0  }
0x1e: {  	[tilespmem:s1+$0x2810] =	vst v0  }
0x1f: {  	[tilespmem:s1+$0x2820] =	vst v0  }
0x20: {  	[tilespmem:s1+$0x2830] =	vst v0  }
0x21: {  	[tilespmem:s1+$0x2840] =	vst v0  }
0x22: {  	[tilespmem:s1+$0x2850] =	vst v0  }
0x23: {  	[tilespmem:s1+$0x2860] =	vst v0  }
0x24: {  	[spmem:s5] =	stream.linear.scatter [tilespmem:s16], [sflag:$0x5], $0x4000, $0x38;
	[tilespmem:$0x1E800] =	vst v63  }
0x25: {  	_ =	swait.ge [sflag:s17], $0x4000  }
0x26: {  	[sflag:s17] =	ssyncset.done $0x0  }
0x27: {  	s0 =	rddreg [dreg:$0x3];
	[sflag:s17] =	ssyncadd.s32 $0xFFFFC000  }
0x28: {  	[spmem:s0] =	stream.linear.scatter [tilespmem:s16], [sflag:$0x5], $0x4000, $0x38;
	[tilespmem:$0x1E800] =	vst v63  }
0x29: {  	_ =	swait.ge [sflag:s17], $0x4000  }
0x2a: {  	[sflag:s17] =	ssyncset.done $0x0  }
0x2b: {  	[sflag:s17] =	ssyncadd.s32 $0xFFFFC000  }
0x2c: {  	[spmem:s7] =	stream.linear.scatter [tilespmem:s16], [sflag:$0x5], $0x4000, $0x38;
	[tilespmem:$0x1E800] =	vst v63  }
0x2d: {  	_ =	swait.ge [sflag:s17], $0x4000  }
0x2e: {  	[sflag:s17] =	ssyncset.done $0x0  }
0x2f: {  	[sflag:s17] =	ssyncadd.s32 $0xFFFFC000  }
0x30: {  	[spmem:s8] =	stream.linear.scatter [tilespmem:s16], [sflag:$0x5], $0x4000, $0x38;
	[tilespmem:$0x1E800] =	vst v63  }
0x31: {  	_ =	swait.ge [sflag:s17], $0x4000  }
0x32: {  	[sflag:s17] =	ssyncset.done $0x0  }
0x33: {  	[sflag:s17] =	ssyncadd.s32 $0xFFFFC000  }
0x34: {  	[spmem:s9] =	stream.linear.scatter [tilespmem:s16], [sflag:$0x5], $0x4000, $0x38;
	[tilespmem:$0x1E800] =	vst v63  }
0x35: {  	_ =	swait.ge [sflag:s17], $0x4000  }
0x36: {  	[sflag:s17] =	ssyncset.done $0x0  }
0x37: {  	[sflag:s17] =	ssyncadd.s32 $0xFFFFC000  }
0x38: {  	[bflag:$0x0] =	sbarrier.arrive $0xFFFF  }
0x39: {  	[tilespmem:s3], [sflag:$0x5] =	stream.linear.gather [hbm4b:s10+s3], $0x1400, $0x38;
	[tilespmem:$0x1E800] =	vst v63  }
0x3a: {  	_ =	swait.ge [sflag:s17], $0x1400  }
0x3b: {  	[sflag:s17] =	ssyncset.done $0x0  }
0x3c: {  	[sflag:s17] =	ssyncadd.s32 $0xFFFFEC00  }
0x3d: {  	[tilespmem:s18], [sflag:$0x5] =	stream.linear.gather [hbm4b:s11+s3], $0x1400, $0x38;
	[tilespmem:$0x1E800] =	vst v63  }
0x3e: {  	_ =	swait.ge [sflag:s17], $0x1400  }
0x3f: {  	[sflag:s17] =	ssyncset.done $0x0  }
0x40: {  	[sflag:s17] =	ssyncadd.s32 $0xFFFFEC00  }
0x41: {  	[tilespmem:s16], [sflag:$0x1] =	stream.indirect.gather [hbm4b:s4+s19], $0x80, s3, s19, $0xb8;
	[tilespmem:$0x1E800] =	vst v63  }
0x42: {  	_ = 	snop  }
0x43: {  	[tilespmem:s20], [sflag:$0x2] =	stream.indirect.gather [hbm4b:s4+s19], $0x80, s19, s19, $0xb8;
	[tilespmem:$0x1E800] =	vst v63  }
0x44: {  	_ =	swait.ge [sflag:s21], $0x4000  }
0x45: {  	[sflag:s21] =	ssyncset.done $0x0  }
0x46: {  	[sflag:s21] =	ssyncadd.s32 $0xFFFFC000  }
0x47: {  	[spmem:s2] =	stream.indirect.scatter.add.f32 [tilespmem:s16], [sflag:$0x3], $0x80, s18, s19, $0xb8;
	[tilespmem:$0x1E800] =	vst v63  }
0x48: {  	_ =	swait.ge [sflag:s22], $0x4000  }
0x49: {  	[sflag:s22] =	ssyncset.done $0x0  }
0x4a: {  	[sflag:s22] =	ssyncadd.s32 $0xFFFFC000  }
0x4b: {  	[tilespmem:s16], [sflag:$0x1] =	stream.indirect.gather [hbm4b:s4+s19], $0x80, s23, s19, $0xb8;
	[tilespmem:$0x1E800] =	vst v63  }
0x4c: {  	_ =	swait.ge [sflag:s24], $0x4000  }
0x4d: {  	[sflag:s24] =	ssyncset.done $0x0  }
0x4e: {  	[sflag:s24] =	ssyncadd.s32 $0xFFFFC000  }
0x4f: {  	[spmem:s2] =	stream.indirect.scatter.add.f32 [tilespmem:s20], [sflag:$0x4], $0x80, s25, s19, $0xb8;
	[tilespmem:$0x1E800] =	vst v63  }
0x50: {  	_ =	swait.ge [sflag:s26], $0x4000  }
0x51: {  	[sflag:s26] =	ssyncset.done $0x0  }
0x52: {  	s6 =	simm.s32 $0x180;
	[sflag:s26] =	ssyncadd.s32 $0xFFFFC000  }
0x53: {  	[tilespmem:s20], [sflag:$0x2] =	stream.indirect.gather [hbm4b:s4+s19], $0x80, s6, s19, $0xb8;
	[tilespmem:$0x1E800] =	vst v63  }
0x54: {  	_ =	swait.ge [sflag:s21], $0x4000  }
0x55: {  	[sflag:s21] =	ssyncset.done $0x0  }
0x56: {  	s1 =	simm.s32 $0x1500;
	[sflag:s21] =	ssyncadd.s32 $0xFFFFC000  }
0x57: {  	[spmem:s2] =	stream.indirect.scatter.add.f32 [tilespmem:s16], [sflag:$0x3], $0x80, s1, s19, $0xb8;
	[tilespmem:$0x1E800] =	vst v63  }
0x58: {  	_ =	swait.ge [sflag:s22], $0x4000  }
0x59: {  	[sflag:s22] =	ssyncset.done $0x0  }
0x5a: {  	s6 =	simm.s32 $0x200;
	[sflag:s22] =	ssyncadd.s32 $0xFFFFC000  }
0x5b: {  	[tilespmem:s16], [sflag:$0x1] =	stream.indirect.gather [hbm4b:s4+s19], $0x80, s6, s19, $0xb8;
	[tilespmem:$0x1E800] =	vst v63  }
0x5c: {  	_ =	swait.ge [sflag:s24], $0x4000  }
0x5d: {  	[sflag:s24] =	ssyncset.done $0x0  }
0x5e: {  	s0 =	simm.s32 $0x1580;
	s1 =	simm.s32 $0xFFFFBC00;
	[sflag:s24] =	ssyncadd.s32 $0xFFFFC000  }
.LBB2_4:
0x5f: {  	[spmem:s2] =	stream.indirect.scatter.add.f32 [tilespmem:s20], [sflag:$0x4], $0x80, s0, s19, $0xb8;
	[tilespmem:$0x1E800] =	vst v63  }
0x60: {  	s0 =	smov.u32 s1  }
0x61: {  	p0 =	sne.s32 s1, $0xFFFFFC00;
	s1 =	sadd.s32 $0x400, s1;
	_ =	swait.ge [sflag:s26], $0x4000  }
0x62: {  	s0 =	sshra.s32 s0, $0x2;
	[sflag:s26] =	ssyncset.done $0x0  }
0x63: {  	s6 =	sadd.s32 $0x1380, s0;
	[sflag:s26] =	ssyncadd.s32 $0xFFFFC000  }
0x64: {  	[tilespmem:s20], [sflag:$0x2] =	stream.indirect.gather [hbm4b:s4+s19], $0x80, s6, s19, $0xb8;
	[tilespmem:$0x1E800] =	vst v63  }
0x65: {  	_ =	swait.ge [sflag:s21], $0x4000  }
0x66: {  	[sflag:s21] =	ssyncset.done $0x0  }
0x67: {  	s6 =	sadd.s32 $0x2700, s0;
	[sflag:s21] =	ssyncadd.s32 $0xFFFFC000  }
0x68: {  	[spmem:s2] =	stream.indirect.scatter.add.f32 [tilespmem:s16], [sflag:$0x3], $0x80, s6, s19, $0xb8;
	[tilespmem:$0x1E800] =	vst v63  }
0x69: {  	_ =	swait.ge [sflag:s22], $0x4000  }
0x6a: {  	[sflag:s22] =	ssyncset.done $0x0  }
.Ltmp1:
0x6b: {  	s6 =	sadd.s32 $0x1400, s0;
	[sflag:s22] =	ssyncadd.s32 $0xFFFFC000;
	(pc) =	sbr.rel @p0 .LBB2_4-.Ltmp1, $4  }
0x6c: {  	[tilespmem:s16], [sflag:$0x1] =	stream.indirect.gather [hbm4b:s4+s19], $0x80, s6, s19, $0xb8;
	[tilespmem:$0x1E800] =	vst v63  }
0x6d: {  	_ =	swait.ge [sflag:s24], $0x4000  }
0x6e: {  	[sflag:s24] =	ssyncset.done $0x0  }
0x6f: {  	s0 =	sadd.s32 $0x2780, s0;
	[sflag:s24] =	ssyncadd.s32 $0xFFFFC000  }
0x70: {  	[spmem:s2] =	stream.indirect.scatter.add.f32 [tilespmem:s20], [sflag:$0x4], $0x80, s0, s19, $0xb8;
	[tilespmem:$0x1E800] =	vst v63  }
0x71: {  	_ =	swait.ge [sflag:s26], $0x4000  }
0x72: {  	[sflag:s26] =	ssyncset.done $0x0  }
0x73: {  	[sflag:s26] =	ssyncadd.s32 $0xFFFFC000  }
0x74: {  	[tilespmem:s20], [sflag:$0x2] =	stream.indirect.gather [hbm4b:s4+s19], $0x80, s28, s19, $0xb8;
	[tilespmem:$0x1E800] =	vst v63  }
0x75: {  	_ =	swait.ge [sflag:s21], $0x4000  }
0x76: {  	[sflag:s21] =	ssyncset.done $0x0  }
0x77: {  	[sflag:s21] =	ssyncadd.s32 $0xFFFFC000  }
0x78: {  	[spmem:s2] =	stream.indirect.scatter.add.f32 [tilespmem:s16], [sflag:$0x3], $0x80, s29, s19, $0xb8;
	[tilespmem:$0x1E800] =	vst v63  }
0x79: {  	_ =	swait.ge [sflag:s22], $0x4000  }
0x7a: {  	[sflag:s22] =	ssyncset.done $0x0  }
0x7b: {  	[sflag:s22] =	ssyncadd.s32 $0xFFFFC000  }
0x7c: {  	_ =	swait.ge [sflag:s24], $0x4000  }
0x7d: {  	[sflag:s24] =	ssyncset.done $0x0  }
0x7e: {  	[sflag:s24] =	ssyncadd.s32 $0xFFFFC000  }
0x7f: {  	[spmem:s2] =	stream.indirect.scatter.add.f32 [tilespmem:s20], [sflag:$0x4], $0x80, s30, s19, $0xb8;
	[tilespmem:$0x1E800] =	vst v63  }
0x80: {  	_ =	swait.ge [sflag:s26], $0x4000  }
0x81: {  	[sflag:s26] =	ssyncset.done $0x0  }
0x82: {  	[sflag:s26] =	ssyncadd.s32 $0xFFFFC000  }
0x83: {  	[tilespmem:s3], [sflag:$0x5] =	stream.linear.gather [hbm4b:s12+s3], $0x1400, $0x38;
	[tilespmem:$0x1E800] =	vst v63  }
0x84: {  	_ =	swait.ge [sflag:s17], $0x1400  }
0x85: {  	[sflag:s17] =	ssyncset.done $0x0  }
0x86: {  	[sflag:s17] =	ssyncadd.s32 $0xFFFFEC00  }
0x87: {  	[tilespmem:s18], [sflag:$0x5] =	stream.linear.gather [hbm4b:s13+s3], $0x1400, $0x38;
	[tilespmem:$0x1E800] =	vst v63  }
0x88: {  	_ =	swait.ge [sflag:s17], $0x1400  }
0x89: {  	[sflag:s17] =	ssyncset.done $0x0  }
0x8a: {  	[sflag:s17] =	ssyncadd.s32 $0xFFFFEC00  }
0x8b: {  	[tilespmem:s16], [sflag:$0x1] =	stream.indirect.gather [hbm4b:s4+s19], $0x80, s3, s19, $0xb8;
	[tilespmem:$0x1E800] =	vst v63  }
0x8c: {  	_ = 	snop  }
0x8d: {  	[tilespmem:s20], [sflag:$0x2] =	stream.indirect.gather [hbm4b:s4+s19], $0x80, s19, s19, $0xb8;
	[tilespmem:$0x1E800] =	vst v63  }
0x8e: {  	_ =	swait.ge [sflag:s21], $0x4000  }
0x8f: {  	[sflag:s21] =	ssyncset.done $0x0  }
0x90: {  	[sflag:s21] =	ssyncadd.s32 $0xFFFFC000  }
0x91: {  	[spmem:s2] =	stream.indirect.scatter.add.f32 [tilespmem:s16], [sflag:$0x3], $0x80, s18, s19, $0xb8;
	[tilespmem:$0x1E800] =	vst v63  }
0x92: {  	_ =	swait.ge [sflag:s22], $0x4000  }
0x93: {  	[sflag:s22] =	ssyncset.done $0x0  }
0x94: {  	[sflag:s22] =	ssyncadd.s32 $0xFFFFC000  }
0x95: {  	[tilespmem:s16], [sflag:$0x1] =	stream.indirect.gather [hbm4b:s4+s19], $0x80, s23, s19, $0xb8;
	[tilespmem:$0x1E800] =	vst v63  }
0x96: {  	_ =	swait.ge [sflag:s24], $0x4000  }
0x97: {  	[sflag:s24] =	ssyncset.done $0x0  }
0x98: {  	[sflag:s24] =	ssyncadd.s32 $0xFFFFC000  }
0x99: {  	[spmem:s2] =	stream.indirect.scatter.add.f32 [tilespmem:s20], [sflag:$0x4], $0x80, s25, s19, $0xb8;
	[tilespmem:$0x1E800] =	vst v63  }
0x9a: {  	_ =	swait.ge [sflag:s26], $0x4000  }
0x9b: {  	[sflag:s26] =	ssyncset.done $0x0  }
0x9c: {  	s6 =	simm.s32 $0x180;
	[sflag:s26] =	ssyncadd.s32 $0xFFFFC000  }
0x9d: {  	[tilespmem:s20], [sflag:$0x2] =	stream.indirect.gather [hbm4b:s4+s19], $0x80, s6, s19, $0xb8;
	[tilespmem:$0x1E800] =	vst v63  }
0x9e: {  	_ =	swait.ge [sflag:s21], $0x4000  }
0x9f: {  	[sflag:s21] =	ssyncset.done $0x0  }
0xa0: {  	s1 =	simm.s32 $0x1500;
	[sflag:s21] =	ssyncadd.s32 $0xFFFFC000  }
0xa1: {  	[spmem:s2] =	stream.indirect.scatter.add.f32 [tilespmem:s16], [sflag:$0x3], $0x80, s1, s19, $0xb8;
	[tilespmem:$0x1E800] =	vst v63  }
0xa2: {  	_ =	swait.ge [sflag:s22], $0x4000  }
0xa3: {  	[sflag:s22] =	ssyncset.done $0x0  }
0xa4: {  	s6 =	simm.s32 $0x200;
	[sflag:s22] =	ssyncadd.s32 $0xFFFFC000  }
0xa5: {  	[tilespmem:s16], [sflag:$0x1] =	stream.indirect.gather [hbm4b:s4+s19], $0x80, s6, s19, $0xb8;
	[tilespmem:$0x1E800] =	vst v63  }
0xa6: {  	_ =	swait.ge [sflag:s24], $0x4000  }
0xa7: {  	[sflag:s24] =	ssyncset.done $0x0  }
0xa8: {  	s0 =	simm.s32 $0x1580;
	s1 =	simm.s32 $0xFFFFBC00;
	[sflag:s24] =	ssyncadd.s32 $0xFFFFC000  }
.LBB2_6:
0xa9: {  	[spmem:s2] =	stream.indirect.scatter.add.f32 [tilespmem:s20], [sflag:$0x4], $0x80, s0, s19, $0xb8;
	[tilespmem:$0x1E800] =	vst v63  }
0xaa: {  	s0 =	smov.u32 s1  }
0xab: {  	p0 =	sne.s32 s1, $0xFFFFFC00;
	s1 =	sadd.s32 $0x400, s1;
	_ =	swait.ge [sflag:s26], $0x4000  }
0xac: {  	s0 =	sshra.s32 s0, $0x2;
	[sflag:s26] =	ssyncset.done $0x0  }
0xad: {  	s6 =	sadd.s32 $0x1380, s0;
	[sflag:s26] =	ssyncadd.s32 $0xFFFFC000  }
0xae: {  	[tilespmem:s20], [sflag:$0x2] =	stream.indirect.gather [hbm4b:s4+s19], $0x80, s6, s19, $0xb8;
	[tilespmem:$0x1E800] =	vst v63  }
0xaf: {  	_ =	swait.ge [sflag:s21], $0x4000  }
0xb0: {  	[sflag:s21] =	ssyncset.done $0x0  }
0xb1: {  	s6 =	sadd.s32 $0x2700, s0;
	[sflag:s21] =	ssyncadd.s32 $0xFFFFC000  }
0xb2: {  	[spmem:s2] =	stream.indirect.scatter.add.f32 [tilespmem:s16], [sflag:$0x3], $0x80, s6, s19, $0xb8;
	[tilespmem:$0x1E800] =	vst v63  }
0xb3: {  	_ =	swait.ge [sflag:s22], $0x4000  }
0xb4: {  	[sflag:s22] =	ssyncset.done $0x0  }
.Ltmp2:
0xb5: {  	s6 =	sadd.s32 $0x1400, s0;
	[sflag:s22] =	ssyncadd.s32 $0xFFFFC000;
	(pc) =	sbr.rel @p0 .LBB2_6-.Ltmp2, $4  }
0xb6: {  	[tilespmem:s16], [sflag:$0x1] =	stream.indirect.gather [hbm4b:s4+s19], $0x80, s6, s19, $0xb8;
	[tilespmem:$0x1E800] =	vst v63  }
0xb7: {  	_ =	swait.ge [sflag:s24], $0x4000  }
0xb8: {  	[sflag:s24] =	ssyncset.done $0x0  }
0xb9: {  	s0 =	sadd.s32 $0x2780, s0;
	[sflag:s24] =	ssyncadd.s32 $0xFFFFC000  }
0xba: {  	[spmem:s2] =	stream.indirect.scatter.add.f32 [tilespmem:s20], [sflag:$0x4], $0x80, s0, s19, $0xb8;
	[tilespmem:$0x1E800] =	vst v63  }
0xbb: {  	_ =	swait.ge [sflag:s26], $0x4000  }
0xbc: {  	[sflag:s26] =	ssyncset.done $0x0  }
0xbd: {  	[sflag:s26] =	ssyncadd.s32 $0xFFFFC000  }
0xbe: {  	[tilespmem:s20], [sflag:$0x2] =	stream.indirect.gather [hbm4b:s4+s19], $0x80, s28, s19, $0xb8;
	[tilespmem:$0x1E800] =	vst v63  }
0xbf: {  	_ =	swait.ge [sflag:s21], $0x4000  }
0xc0: {  	[sflag:s21] =	ssyncset.done $0x0  }
0xc1: {  	[sflag:s21] =	ssyncadd.s32 $0xFFFFC000  }
0xc2: {  	[spmem:s2] =	stream.indirect.scatter.add.f32 [tilespmem:s16], [sflag:$0x3], $0x80, s29, s19, $0xb8;
	[tilespmem:$0x1E800] =	vst v63  }
0xc3: {  	_ =	swait.ge [sflag:s22], $0x4000  }
0xc4: {  	[sflag:s22] =	ssyncset.done $0x0  }
0xc5: {  	[sflag:s22] =	ssyncadd.s32 $0xFFFFC000  }
0xc6: {  	_ =	swait.ge [sflag:s24], $0x4000  }
0xc7: {  	[sflag:s24] =	ssyncset.done $0x0  }
0xc8: {  	[sflag:s24] =	ssyncadd.s32 $0xFFFFC000  }
0xc9: {  	[spmem:s2] =	stream.indirect.scatter.add.f32 [tilespmem:s20], [sflag:$0x4], $0x80, s30, s19, $0xb8;
	[tilespmem:$0x1E800] =	vst v63  }
0xca: {  	s6 =	stileid.u32;
	_ =	swait.ge [sflag:s26], $0x4000  }
0xcb: {  	s1 =	sshrl.u32 s5, $0x3;
	s31 =	sadd.s32 $0x1, s31;
	[sflag:s26] =	ssyncset.done $0x0  }
0xcc: {  	s0 =	sshll.u32 s6, $0x6;
	p0 =	sne.s32 s31, s15;
	[sflag:s26] =	ssyncadd.s32 $0xFFFFC000  }
.Ltmp3:
0xcd: {  	s0 =	sor.u32 $0x1C05, s0;
	[bflag:$0x0] =	sbarrier.arrive $0xFFFF;
	(pc) =	sbr.rel @p0 .LBB2_1-.Ltmp3, $4  }
0xce: {  	[hbm:s14], [sflag:s0] =	dma.local [spmem:s1], $0x2800  }
0xcf: {  	_ =	swait.ge [sflag:s17], $0x2800  }
0xd0: {  	[sflag:s17] =	ssyncset.done $0x0  }
0xd1: {  	[sflag:s17] =	ssyncadd.s32 $0xFFFFD800  }
0xd2: {  	_ =	sfence.sel $0x180000  }
0xd3: {  	[bflag:$0x0] =	sbarrier.arrive $0xFFFF  }
0xd4: {  	_ =	strace $0x9000004A  }
0xd5: {  	s0 =	stileid.u32;
	[bflag:$0x2] =	sbarrier.arrive $0xFFFF  }
0xd6: {  	p0 =	sne.s32 s0, $0x0;
	s0 =	rddreg [dreg:$0x2]  }
0xd7: {  	s0 =	sadd.s32 @!p0 $0x100000, s0  }
0xd8: {  	[sflag:s0] =	ssyncadd.tile.s32 @!p0 $0x1;
	_ =	shalt  }
.Lfunc_end2:
_tile_overlayer_lowered:
.L_overlay_start_2:
0xd9: {  	(tag) =	ssettag $0x2  }
0xda: {  	s0 =	rddreg [dreg:$0x0];
	s2 =	stileid.u32  }
0xdb: {  	s1 =	rddreg [dreg:$0x1];
	p0 =	sne.s32 s2, $0x0  }
0xdc: {  	s3 =	rddreg [dreg:$0x2];
	[bflag:$0x3] =	sbarrier.arrive $0xFFFF;
	s2 =	simm.s32 @!p0 $0x1C05  }
0xdd: {  	[timem:s3], [sflag:s2] =	dma.local @!p0 [hbm:s0], s1  }
0xde: {  	s0 =	simm.s32 @!p0 $0x5  }
0xdf: {  	_ =	swait.ge @!p0 [sflag:s0], s1  }
0xe0: {  	s1 =	ssub.s32 @!p0 $0x0, s1;
	[sflag:s0] =	ssyncset.done @!p0 $0x0  }
0xe1: {  	[sflag:s0] =	ssyncadd.s32 @!p0 s1  }
0xe2: {  	[bflag:$0x3] =	sbarrier.arrive $0xFFFF  }
0xe3: {  	_ =	shalt  }

// kernel: kernel.7.cloned.1.call-start
scs
__scs_entry_jumppad:
0x0: {  	(pc) =	sbr.rel $0x88, $3  }
0x1: {  	(tag) =	ssettag $0x0;
	lr =	simm.s32 $0x1  }
0x2: {  	[smem:$0x3F97] =	sst lr;
	_ =	strace $0xD0000000  }
0x3: {  	_ = 	snop  }
0x4: {  	_ = 	snop  }
0x5: {  	_ = 	snop  }
0x6: {  	_ = 	snop  }
0x7: {  	_ = 	snop  }
__scs_overlays_trampoline_lowered:
0x8: {  	[smem:$0x3FA6] =	sst s0  }
0x9: {  	[smem:$0x3FA7] =	sst s1  }
0xa: {  	[smem:$0x3FA8] =	sst s2  }
0xb: {  	[smem:$0x3FA9] =	sst s3  }
0xc: {  	[smem:$0x3FAA] =	sst s4  }
0xd: {  	[smem:$0x3FAB] =	sst s5  }
0xe: {  	[smem:$0x3FAC] =	sst s6  }
0xf: {  	[smem:$0x3FAD] =	sst s7  }
0x10: {  	[smem:$0x3FAE] =	sst s8  }
0x11: {  	[smem:$0x3FAF] =	sst s9;
	s0 =	simm.s32 @!p0 $0x0  }
0x12: {  	s1 =	sld [smem:$0x3F95];
	s0 =	simm.s32 @p0 $0x1  }
0x13: {  	[smem:$0x3FB0] =	sst s0;
	s0 =	simm.s32 @!p1 $0x0  }
0x14: {  	s2 =	sld [smem:$0x3F94];
	s0 =	simm.s32 @p1 $0x1  }
0x15: {  	[smem:$0x3FB1] =	sst s0;
	s0 =	simm.s32 @!p2 $0x0  }
0x16: {  	s3 =	sld [smem:$0x3FDB];
	s0 =	simm.s32 @p2 $0x1  }
0x17: {  	s4 =	simm.s32 $0x1BF5;
	[smem:$0x3FB3] =	sst s0  }
0x18: {  	s0 =	sld [smem:$0x3F96];
	_ =	swait.ge [sflag:s4], $0x0  }
0x19: {  	s7 =	sld [smem:$0x3F97]  }
0x1a: {  	s8 =	sadd.s32 $0xFFFFE003, lr  }
0x1b: {  	s9 =	sadd.s32 $0xFFFFFEF7, lr;
	s5 =	simm.s32 $0xFFFFFFFF;
	p2 =	slt.u32 s8, $0xFFFFF086  }
0x1c: {  	p1 =	slt.u32 s9, $0xF7A;
	s5 =	simm.s32 @!p2 $0x0  }
0x1d: {  	s5 =	simm.s32 @p1 $0x1;
	p0 =	seq.s32 s7, s2  }
0x1e: {  	s7 =	smul.u32 @!p0 $0xF7A, s2;
	p2 =	seq.s32 @!p0 s5, $0x0  }
0x1f: {  	s9 =	smul.u32 $0xF7A, s1;
	s8 =	simm.s32 @!p0 $0x1BF5;
	p2 =	por !p2, p0  }
0x20: {  	[sflag:s8] =	ssyncset.s32 @!p0 $0xFFFFF086;
	s6 =	sadd.s32 @!p0 s3, s7;
	s7 =	simm.s32 @!p0 $0x108  }
0x21: {  	s3 =	sadd.s32 s3, s9;
	s6 =	sadd.s32 @!p0 $0x88, s6;
	s7 =	simm.s32 @p2 $0x1082  }
0x22: {  	[simem:s7], [sflag:s8] =	dma.local @!p0 [hbm:s6], $0xF7A  }
0x23: {  	s9 =	sor.u32 $0xD0000000, s2;
	s6 =	simm.s32 $0x108;
	_ =	swait.ge @!p0 [sflag:s8], $0x0  }
0x24: {  	s3 =	sadd.s32 $0x88, s3;
	s6 =	simm.s32 @!p1 $0x1082;
	[sflag:s4] =	ssyncset.s32 $0xFFFFF086  }
0x25: {  	[simem:s6], [sflag:s4] =	dma.local [hbm:s3], $0xF7A  }
0x26: {  	[smem:$0x3F97] =	sst s1;
	(tag) =	ssettag s2;
	_ =	strace s9  }
0x27: {  	s1 =	sld [smem:$0x3FA7]  }
0x28: {  	s2 =	sld [smem:$0x3FA8]  }
0x29: {  	s4 =	sld [smem:$0x3FAA]  }
0x2a: {  	p0 =	seq.s32 s5, $0x0;
	s5 =	sld [smem:$0x3FAB]  }
0x2b: {  	s6 =	sld [smem:$0x3FAC]  }
0x2c: {  	s7 =	sld [smem:$0x3FAD]  }
0x2d: {  	s3 =	simm.s32 $0x108;
	s8 =	sld [smem:$0x3FAE]  }
0x2e: {  	s3 =	simm.s32 @!p0 $0x1082;
	s9 =	sld [smem:$0x3FAF]  }
0x2f: {  	lr =	sadd.s32 s0, s3;
	s0 =	sld [smem:$0x3FA6]  }
0x30: {  	s3 =	sld [smem:$0x3FA9]  }
0x31: {  	[smem:$0x3FB2] =	sst s10  }
0x32: {  	s10 =	sld [smem:$0x3FB0];
	_ =	sdelay $0x3  }
0x33: {  	p0 =	seq.s32 s10, $0x1;
	s10 =	sld [smem:$0x3FB2];
	_ =	sdelay $0x3  }
0x34: {  	[smem:$0x3FB2] =	sst s10  }
0x35: {  	s10 =	sld [smem:$0x3FB1];
	_ =	sdelay $0x3  }
0x36: {  	p1 =	seq.s32 s10, $0x1;
	s10 =	sld [smem:$0x3FB2];
	_ =	sdelay $0x3  }
0x37: {  	[smem:$0x3FB2] =	sst s10  }
0x38: {  	s10 =	sld [smem:$0x3FB3]  }
0x39: {  	_ = 	snop;
	(pc) =	sbr.ind lr, $3  }
0x3a: {  	_ = 	snop  }
0x3b: {  	_ = 	snop  }
0x3c: {  	p2 =	seq.s32 s10, $0x1;
	s10 =	sld [smem:$0x3FB2]  }
0x3d: {  	_ =	shalt  }
0x3e: {  	_ =	shalt  }
0x3f: {  	_ =	shalt  }
0x40: {  	_ =	shalt  }
0x41: {  	_ =	shalt  }
0x42: {  	_ =	shalt  }
0x43: {  	_ =	shalt  }
0x44: {  	_ =	shalt  }
0x45: {  	_ =	shalt  }
0x46: {  	_ =	shalt  }
0x47: {  	_ =	shalt  }
0x48: {  	_ =	shalt  }
0x49: {  	_ =	shalt  }
0x4a: {  	_ =	shalt  }
0x4b: {  	_ =	shalt  }
0x4c: {  	_ =	shalt  }
0x4d: {  	_ =	shalt  }
0x4e: {  	_ =	shalt  }
0x4f: {  	_ =	shalt  }
0x50: {  	_ =	shalt  }
0x51: {  	_ =	shalt  }
0x52: {  	_ =	shalt  }
0x53: {  	_ =	shalt  }
0x54: {  	_ =	shalt  }
0x55: {  	_ =	shalt  }
0x56: {  	_ =	shalt  }
0x57: {  	_ =	shalt  }
0x58: {  	_ =	shalt  }
0x59: {  	_ =	shalt  }
0x5a: {  	_ =	shalt  }
0x5b: {  	_ =	shalt  }
0x5c: {  	_ =	shalt  }
0x5d: {  	_ =	shalt  }
0x5e: {  	_ =	shalt  }
0x5f: {  	_ =	shalt  }
0x60: {  	_ =	shalt  }
0x61: {  	_ =	shalt  }
0x62: {  	_ =	shalt  }
0x63: {  	_ =	shalt  }
0x64: {  	_ =	shalt  }
0x65: {  	_ =	shalt  }
0x66: {  	_ =	shalt  }
0x67: {  	_ =	shalt  }
0x68: {  	_ =	shalt  }
0x69: {  	_ =	shalt  }
0x6a: {  	_ =	shalt  }
0x6b: {  	_ =	shalt  }
0x6c: {  	_ =	shalt  }
0x6d: {  	_ =	shalt  }
0x6e: {  	_ =	shalt  }
0x6f: {  	_ =	shalt  }
0x70: {  	_ =	shalt  }
0x71: {  	_ =	shalt  }
0x72: {  	_ =	shalt  }
0x73: {  	_ =	shalt  }
0x74: {  	_ =	shalt  }
0x75: {  	_ =	shalt  }
0x76: {  	_ =	shalt  }
0x77: {  	_ =	shalt  }
0x78: {  	_ =	shalt  }
0x79: {  	_ =	shalt  }
0x7a: {  	_ =	shalt  }
0x7b: {  	_ =	shalt  }
0x7c: {  	_ =	shalt  }
0x7d: {  	_ =	shalt  }
0x7e: {  	_ =	shalt  }
0x7f: {  	_ =	shalt  }
0x80: {  	_ =	shalt  }
0x81: {  	_ =	shalt  }
0x82: {  	_ =	shalt  }
0x83: {  	_ =	shalt  }
0x84: {  	_ =	shalt  }
0x85: {  	_ =	shalt  }
0x86: {  	_ =	shalt  }
0x87: {  	_ =	shalt  }
.Lfunc_end0:
.L_simem_size_0:
called_computation_lowered:
.L_overlay_start_0:
0x88: {  	s2 =	sld [smem:$0x3FD9]  }
0x89: {  	s3 =	sld [smem:$0x3FFE];
	_ =	sdelay $0x1  }
0x8a: {  	s1 =	srdreg.scid  }
0x8b: {  	s0 =	sand.u32 $0x1, s1  }
0x8c: {  	s16 =	sshll.u32 s0, $0xA;
	s2 =	sadd.s32 s3, s2  }
0x8d: {  	s2 =	sadd.s32 s2, s16  }
0x8e: {  	[smem:$0x3FBE] =	sst s2  }
0x8f: {  	_ = 	snop  }
0x90: {  	(tm) =	ssettm $0x1  }
0x91: {  	s17 =	sld [smem:$0x3FFB];
	_ =	sdelay $0x3  }
0x92: {  	_ =	strace s17  }
0x93: {  	s2 =	sld [smem:$0x3FFC];
	_ =	sdelay $0x3  }
0x94: {  	_ =	strace s2  }
0x95: {  	s2 =	sld [smem:$0x3FFD];
	_ =	sdelay $0x3  }
0x96: {  	_ =	strace s2  }
0x97: {  	_ =	strace $0x8FFFFFFF  }
0x98: {  	s18 =	sld [smem:$0x3FDB];
	_ =	sdelay $0x1  }
0x99: {  	s19 =	simm.s32 $_scs_section_size  }
0x9a: {  	s4 =	simm.s32 $_size__tile_overlayer_lowered;
	s5 =	simm.s32 $_tile_overlayer_lowered  }
0x9b: {  	s22 =	simm.s32 $0x1BFF;
	s21 =	sshll.u32 s5, $0x1;
	s2 =	sadd.s32 s19, s18  }
0x9c: {  	s6 =	simm.s32 $0x0;
	s20 =	sshll.u32 s4, $0x1;
	s4 =	sadd.s32 s21, s2  }
0x9d: {  	[timem:s6], [sflag:s22] =	dma.local [hbm:s4], s20  }
0x9e: {  	_ =	swait.ge [sflag:s22], s20  }
0x9f: {  	s3 =	ssub.s32 $0x0, s20;
	[sflag:s22] =	ssyncset.done $0x0  }
0xa0: {  	[sflag:s22] =	ssyncadd.s32 s3;
	_ =	sdelay $0x1  }
0xa1: {  	s23 =	simm.s32 $0x1B8B  }
0xa2: {  	_ =	swait.ge [sflag:s23], $0x1  }
0xa3: {  	[sflag:s23] =	ssyncset.done $0x0  }
0xa4: {  	s25 =	simm.s32 $0x1B8E;
	s24 =	sld [smem:$0x3FFE];
	[sflag:s23] =	ssyncadd.s32 $0xFFFFFFFF  }
0xa5: {  	s26 =	simm.s32 $execute0_lowered;
	[smem:$0x3FD2] =	sst s25  }
0xa6: {  	s4 =	sshll.u32 s26, $0x1;
	_ =	strace $0x80000046;
	[dreg:$0x1] =	wrdreg $0xFFFFFFFF  }
0xa7: {  	s28 =	simm.s32 $_size_execute0_lowered;
	s2 =	sadd.s32 s2, s4;
	[dreg:$0x0] =	wrdreg $0x0  }
0xa8: {  	s4 =	sshll.u32 s28, $0x1;
	[dreg:$0x2] =	wrdreg s2  }
0xa9: {  	[dreg:$0x3] =	wrdreg s4  }
0xaa: {  	[dreg:$0x4] =	wrdreg $0xC0  }
0xab: {  	_ =	task [dreg:s6], $0x5FFFF  }
0xac: {  	[dreg:$0x1] =	wrdreg $0xFFFFFFFF  }
0xad: {  	[dreg:$0x0] =	wrdreg $0x60  }
0xae: {  	[dreg:$0x2] =	wrdreg s24  }
0xaf: {  	[dreg:$0x3] =	wrdreg $0x2B000  }
0xb0: {  	[dreg:$0x4] =	wrdreg $0x9  }
0xb1: {  	_ =	task.clear_ibuf [dreg:s6], $0x5FFFF;
	_ =	strace $0x90000046  }
0xb2: {  	s29 =	simm.s32 $0x9;
	_ =	strace $0x80000048  }
0xb3: {  	_ =	swait.ge [sflag:s29], $0x1  }
0xb4: {  	[sflag:s29] =	ssyncadd.s32 $0xFFFFFFFF  }
0xb5: {  	_ =	strace $0x90000048  }
0xb6: {  	_ =	sfence  }
0xb7: {  	s30 =	sld [smem:$0x0];
	_ =	sdelay $0x2  }
0xb8: {  	s31 =	sshll.u32 s1, $0xD;
	s1 =	sshrl.u32 s1, $0x2  }
0xb9: {  	s3 =	sand.u32 $0x4000, s31;
	s1 =	sadd.s32 s1, s30  }
0xba: {  	s0 =	sor.u32 s3, s0;
	s1 =	sshll.u32 s1, $0x11  }
0xbb: {  	s0 =	sor.u32 s1, s0  }
0xbc: {  	s0 =	sadd.s32 $0x8F2B, s0  }
0xbd: {  	[sflag:s0] =	ssyncadd.remote.s32 $0x1  }
0xbe: {  	_ =	sfence.sel $0xFFFF  }
0xbf: {  	[dreg:$0x0] =	wrdreg $0xFFFFFFFF;
	(pc) =	sbr.abs _section_cstart, $3  }
0xc0: {  	[dreg:$0x1] =	wrdreg $0xFFFFFFFF  }
0xc1: {  	_ =	task.clear_ibuf [dreg:s6], $0x2FFFF;
	_ =	strace $0x9FFFFFFF  }
0xc2: {  	(tm) =	ssettm $0x7FFFFFFF  }
0xc3: {  	_ =	shalt  }
tec
execute0_lowered:
.L_overlay_start_1:
0x0: {  	(tag) =	ssettag $0x1  }
0x1: {  	s4 =	rddreg [dreg:$0x0]  }
0x2: {  	s2 =	rddreg [dreg:$0x1]  }
0x3: {  	s0 =	rddreg [dreg:$0x2]  }
0x4: {  	s3 =	srdreg.scid;
	s1 =	stileid.u32  }
0x5: {  	s10 =	simm.s32 $0x80;
	s11 =	simm.s32 $0x2800;
	s14 =	simm.s32 $0x20  }
0x6: {  	s15 =	simm.s32 $0x10;
	s16 =	simm.s32 $0x0;
	s5 =	sand.u32 $0x1, s3  }
0x7: {  	s6 =	smul.u32 $0x500, s1;
	s7 =	sshll.u32 s1, $0x1;
	s3 =	simm.s32 $0x0  }
0x8: {  	s31 =	smul.u32 $0xA00, s1;
	s12 =	sshll.u32 s1, $0x6;
	s8 =	sshll.u32 s5, $0x7  }
0x9: {  	s7 =	sor.u32 s5, s7;
	[smem:$0x7FF] =	sst s3;
	s5 =	ssub.s32 $0x2, s5  }
0xa: {  	s12 =	sor.u32 $0x1C01, s12;
	s6 =	sor.u32 s8, s6;
	s7 =	smul.u32 $0x2800, s7  }
0xb: {  	_ =	strace $0x80000047;
	s9 =	sshrl.u32 s5, $0x1;
	s8 =	sshrl.u32 s31, $0x2  }
0xc: {  	s6 =	sshrl.u32 s6, $0x3;
	s9 =	ssub.s32 s5, s9;
	s7 =	sshrl.u32 s7, $0x3  }
0xd: {  	s6 =	sadd.s32 s6, s4;
	s7 =	sadd.s32 s4, s7;
	s4 =	sadd.s32 s8, s2  }
0xe: {  	s6 =	sadd.s32 $0x16C00, s6;
	s8 =	simm.s32 $0x2880;
	s5 =	sadd.s32 $0xCC00, s7  }
0xf: {  	v0 =	vimm.f32 $1.000000000e+00;
	v1 =	vimm.f32 $0.0e+00;
	s7 =	smax.u32 s9, $0x1;
	s9 =	simm.s32 $0x1;
	s13 =	sshrl.u32 s4, $0x3  }
.LBB2_1:
0x10: {  	[tilespmem:$0x2800] =	vst v0  }
0x11: {  	[tilespmem:$0x2810] =	vst v0  }
0x12: {  	[tilespmem:$0x2820] =	vst v0  }
0x13: {  	[tilespmem:$0x2830] =	vst v0  }
0x14: {  	[tilespmem:$0x2840] =	vst v0  }
0x15: {  	[tilespmem:$0x2850] =	vst v0  }
0x16: {  	[tilespmem:$0x2860] =	vst v0  }
0x17: {  	[tilespmem:$0x2870] =	vst v0  }
0x18: {  	[tilespmem:$0x2880] =	vst v1  }
0x19: {  	[tilespmem:$0x2890] =	vst v1  }
0x1a: {  	[tilespmem:$0x28A0] =	vst v1  }
0x1b: {  	[tilespmem:$0x28B0] =	vst v1  }
0x1c: {  	[tilespmem:$0x28C0] =	vst v1  }
0x1d: {  	[tilespmem:$0x28D0] =	vst v1  }
0x1e: {  	[tilespmem:$0x28E0] =	vst v1  }
0x1f: {  	[tilespmem:$0x28F0] =	vst v1  }
0x20: {  	[tilespmem:$0x2900] =	vst v1  }
0x21: {  	[tilespmem:$0x2910] =	vst v1  }
0x22: {  	[tilespmem:$0x2920] =	vst v1  }
0x23: {  	[tilespmem:$0x2930] =	vst v1  }
0x24: {  	[tilespmem:$0x2940] =	vst v1  }
0x25: {  	[tilespmem:$0x2950] =	vst v1  }
0x26: {  	[tilespmem:$0x2960] =	vst v1  }
0x27: {  	[tilespmem:$0x2970] =	vst v1  }
0x28: {  	[tilespmem:$0x2980] =	vst v1  }
0x29: {  	[tilespmem:$0x2990] =	vst v1  }
0x2a: {  	[tilespmem:$0x29A0] =	vst v1  }
0x2b: {  	[tilespmem:$0x29B0] =	vst v1  }
0x2c: {  	[tilespmem:$0x29C0] =	vst v1  }
0x2d: {  	[tilespmem:$0x29D0] =	vst v1  }
0x2e: {  	[tilespmem:$0x29E0] =	vst v1  }
0x2f: {  	[tilespmem:$0x29F0] =	vst v1  }
0x30: {  	[tilespmem:$0x2A00] =	vst v1  }
0x31: {  	[tilespmem:$0x2A10] =	vst v1  }
0x32: {  	[tilespmem:$0x2A20] =	vst v1  }
0x33: {  	[tilespmem:$0x2A30] =	vst v1  }
0x34: {  	[tilespmem:$0x2A40] =	vst v1  }
0x35: {  	[tilespmem:$0x2A50] =	vst v1  }
0x36: {  	[tilespmem:$0x2A60] =	vst v1  }
0x37: {  	[tilespmem:$0x2A70] =	vst v1  }
0x38: {  	[tilespmem:$0x2A80] =	vst v1  }
0x39: {  	[tilespmem:$0x2A90] =	vst v1  }
0x3a: {  	[tilespmem:$0x2AA0] =	vst v1  }
0x3b: {  	[tilespmem:$0x2AB0] =	vst v1  }
0x3c: {  	[tilespmem:$0x2AC0] =	vst v1  }
0x3d: {  	[tilespmem:$0x2AD0] =	vst v1  }
0x3e: {  	[tilespmem:$0x2AE0] =	vst v1  }
0x3f: {  	[tilespmem:$0x2AF0] =	vst v1  }
0x40: {  	[spmem:s4] =	stream.linear.scatter [tilespmem:s8], [sflag:$0x1], $0x280, $0x38;
	[tilespmem:$0x2D80] =	vst v63  }
0x41: {  	_ =	swait.ge [sflag:s9], $0x280  }
0x42: {  	[sflag:s9] =	ssyncset.done $0x0  }
0x43: {  	[sflag:s9] =	ssyncadd.s32 $0xFFFFFD80  }
0x44: {  	[bflag:$0x0] =	sbarrier.arrive $0xFFFF  }
0x45: {  	[tilespmem:s3], [sflag:$0x1] =	stream.linear.gather [hbm4b:s5+s3], $0x2800, $0x38;
	[tilespmem:$0x2D80] =	vst v63  }
0x46: {  	_ =	swait.ge [sflag:s9], $0x2800  }
0x47: {  	[sflag:s9] =	ssyncset.done $0x0  }
0x48: {  	s17 =	simm.s32 $0x0;
	[sflag:s9] =	ssyncadd.s32 $0xFFFFD800  }
0x49: {  	[spmem:s2] =	stream.indirect.scatter.add.f32 [tilespmem:s11], [sflag:$0x1], $0x1, s17, s10, $0xb8;
	[tilespmem:$0x2D80] =	vst v63  }
0x4a: {  	_ =	swait.ge [sflag:s9], $0x80  }
0x4b: {  	s17 =	simm.s32 $0x200;
	[sflag:s9] =	ssyncset.done $0x0  }
.LBB2_2:
0x4c: {  	s18 =	sshra.s32 s17, $0x2;
	[sflag:s9] =	ssyncadd.s32 $0xFFFFFF80;
	p0 =	sne.s32 s17, $0x9E00  }
0x4d: {  	[spmem:s2] =	stream.indirect.scatter.add.f32 [tilespmem:s11], [sflag:$0x1], $0x1, s18, s10, $0xb8;
	[tilespmem:$0x2D80] =	vst v63  }
.Ltmp0:
0x4e: {  	_ = 	snop;
	(pc) =	sbr.rel @p0 .LBB2_2-.Ltmp0, $4  }
0x4f: {  	_ = 	snop  }
0x50: {  	s17 =	sadd.s32 $0x200, s17  }
0x51: {  	_ =	swait.ge [sflag:s9], $0x80  }
0x52: {  	[sflag:s9] =	ssyncset.done $0x0  }
0x53: {  	s16 =	sadd.s32 $0x1, s16  }
0x54: {  	[sflag:s9] =	ssyncadd.s32 $0xFFFFFF80;
	p0 =	sne.s32 s16, s7  }
.Ltmp1:
0x55: {  	[bflag:$0x0] =	sbarrier.arrive $0xFFFF;
	(pc) =	sbr.rel @p0 .LBB2_1-.Ltmp1, $4  }
0x56: {  	[hbm:s6@s14], [sflag:s12] =	dma.strided [spmem:s13@s15], $0x50, s9, $0x10   }
0x57: {  	_ =	swait.ge [sflag:s9], $0x50  }
0x58: {  	[sflag:s9] =	ssyncset.done $0x0  }
0x59: {  	[sflag:s9] =	ssyncadd.s32 $0xFFFFFFB0  }
0x5a: {  	_ =	sfence.sel $0x180000  }
0x5b: {  	[bflag:$0x0] =	sbarrier.arrive $0xFFFF  }
0x5c: {  	p0 =	sne.s32 s1, $0x0;
	_ =	strace $0x90000047  }
0x5d: {  	s0 =	sadd.s32 @!p0 $0x100000, s0;
	[bflag:$0x2] =	sbarrier.arrive $0xFFFF  }
0x5e: {  	[sflag:s0] =	ssyncadd.tile.s32 @!p0 $0x1;
	_ =	shalt  }
.Lfunc_end2:
_tile_overlayer_lowered:
.L_overlay_start_2:
0x5f: {  	(tag) =	ssettag $0x2  }
0x60: {  	s0 =	rddreg [dreg:$0x0];
	s2 =	stileid.u32  }
0x61: {  	s1 =	rddreg [dreg:$0x1];
	p0 =	sne.s32 s2, $0x0  }
0x62: {  	s3 =	rddreg [dreg:$0x2];
	[bflag:$0x3] =	sbarrier.arrive $0xFFFF;
	s2 =	simm.s32 @!p0 $0x1C01  }
0x63: {  	[timem:s3], [sflag:s2] =	dma.local @!p0 [hbm:s0], s1  }
0x64: {  	s0 =	simm.s32 @!p0 $0x1  }
0x65: {  	_ =	swait.ge @!p0 [sflag:s0], s1  }
0x66: {  	s1 =	ssub.s32 @!p0 $0x0, s1;
	[sflag:s0] =	ssyncset.done @!p0 $0x0  }
0x67: {  	[sflag:s0] =	ssyncadd.s32 @!p0 s1  }
0x68: {  	[bflag:$0x3] =	sbarrier.arrive $0xFFFF  }
0x69: {  	_ =	shalt  }

</sc_bundles>
